<compile_context>
chip_gen: v7x
topology: tpu7x:2x2x1
jax: 0.10.2.dev20260603
libtpu: 0.0.44.dev20260713+nightly
codegen_flags: <defaults>
</compile_context>

<pallas_src>
import functools

import jax
import jax.numpy as jnp
from jax import lax
from jax.experimental import pallas as pl
from jax.experimental.pallas import tpu as pltpu
from jax.experimental.pallas import tpu_sc as plsc

VOCAB = 1000000
EMBED_DIM = 64
OUT_DIM = 64
BATCH = 16384
HIST = 50
B_TOTAL = BATCH * HIST
QUARTER = BATCH // 4
WPR = OUT_DIM // 2

_CB = 4096
_NBLK = (VOCAB + _CB - 1) // _CB
_VPAD = _NBLK * _CB


def _rne_hi16(x):
    u = lax.bitcast_convert_type(x, jnp.uint32)
    return (u + jnp.uint32(0x8000)) & jnp.uint32(0xFFFF0000)


def _pack_bf16(u):
    return lax.bitcast_convert_type(
        (u[:, 0:WPR] >> 16) | u[:, WPR : 2 * WPR], jnp.float32
    )


def _transform_body(xt_ref, w_ref, bc_ref, o_ref):
    yt = lax.dot_general(
        w_ref[...],
        xt_ref[...],
        (((1,), (0,)), ((), ())),
        preferred_element_type=jnp.float32,
    )
    u = _rne_hi16(jnp.maximum(yt + bc_ref[...], 0.0))
    words = (u[0:WPR, :] >> 16) | u[WPR : 2 * WPR, :]
    wf = lax.bitcast_convert_type(words.T, jnp.float32)
    for m in range(4):
        o_ref[:, m * WPR : (m + 1) * WPR] = wf[
            m * (_CB // 4) : (m + 1) * (_CB // 4), :
        ]


def _transform_table(table_t, w, bc):
    return pl.pallas_call(
        _transform_body,
        grid=(_NBLK,),
        in_specs=[
            pl.BlockSpec((EMBED_DIM, _CB), lambda i: (0, i)),
            pl.BlockSpec((OUT_DIM, EMBED_DIM), lambda i: (0, 0)),
            pl.BlockSpec((OUT_DIM, 1), lambda i: (0, 0)),
        ],
        out_specs=pl.BlockSpec((_CB // 4, 128), lambda i: (i, 0)),
        out_shape=jax.ShapeDtypeStruct((_VPAD // 4, 128), jnp.float32),
    )(table_t, w, bc)


_info = plsc.get_sparse_core_info()
_NC, _NS = _info.num_cores, _info.num_subcores
_NW = _NC * _NS
_B_PER_W = B_TOTAL // _NW
_IDXW = 128
_ROWS_PER_CHUNK = 1024
_STREAMS_PER_CHUNK = _ROWS_PER_CHUNK // _IDXW
_CHUNKS = _B_PER_W // _ROWS_PER_CHUNK
_IDX_ROWS_PER_W = _B_PER_W // _IDXW

_mesh = plsc.VectorSubcoreMesh(core_axis_name="c", subcore_axis_name="s")


@functools.partial(
    pl.kernel,
    mesh=_mesh,
    compiler_params=pltpu.CompilerParams(use_tc_tiling_on_sc=False),
    out_type=jax.ShapeDtypeStruct((B_TOTAL * WPR // 128, 128), jnp.float32),
    scratch_types=[
        pltpu.VMEM((_IDX_ROWS_PER_W, _IDXW), jnp.int32),
        pltpu.VMEM((_ROWS_PER_CHUNK, WPR), jnp.float32),
        pltpu.SemaphoreType.DMA,
    ],
)
def _gather_rows(idx_hbm, t2_hbm, out_hbm, idx_v, rows_v, sem):
    wid = lax.axis_index("s") * _NC + lax.axis_index("c")
    base = wid * _B_PER_W
    pltpu.sync_copy(idx_hbm.at[pl.ds(wid * _IDX_ROWS_PER_W, _IDX_ROWS_PER_W)], idx_v)

    def chunk_body(c, carry):
        cps = []
        for k in range(_STREAMS_PER_CHUNK):
            cps.append(
                pltpu.async_copy(
                    t2_hbm.at[idx_v.at[c * _STREAMS_PER_CHUNK + k]],
                    rows_v.at[pl.ds(k * _IDXW, _IDXW)],
                    sem,
                )
            )
        for cp in cps:
            cp.wait()
        p0 = base + c * _ROWS_PER_CHUNK
        dst = ((p0 >> 14) << 12) + (p0 & 4095)
        m = (p0 >> 12) & 3
        pltpu.sync_copy(
            rows_v,
            out_hbm.at[pl.ds(dst, _ROWS_PER_CHUNK), pl.ds(m * WPR, WPR)],
        )
        return carry

    lax.fori_loop(0, _CHUNKS, chunk_body, 0)


def _transpose_body(x_ref, o_ref):
    xt = lax.bitcast_convert_type(x_ref[...], jnp.uint32).T
    for m in range(4):
        w = xt[m * WPR : (m + 1) * WPR, :]
        lo = lax.bitcast_convert_type(w << 16, jnp.float32)
        hi = lax.bitcast_convert_type(w & jnp.uint32(0xFFFF0000), jnp.float32)
        o_ref[0, 0:WPR, m * QUARTER : (m + 1) * QUARTER] = lo
        o_ref[0, WPR : 2 * WPR, m * QUARTER : (m + 1) * QUARTER] = hi


def _transpose_out(out2_words):
    return pl.pallas_call(
        _transpose_body,
        grid=(HIST,),
        in_specs=[pl.BlockSpec((QUARTER, 128), lambda l: (l, 0))],
        out_specs=pl.BlockSpec((1, OUT_DIM, BATCH), lambda l: (l, 0, 0)),
        out_shape=jax.ShapeDtypeStruct((HIST, OUT_DIM, BATCH), jnp.float32),
    )(out2_words)


def _idx_body(e_ref, o_ref):
    t = e_ref[...]
    c = t & (_CB - 1)
    g = (t & ~(_CB - 1)) + 4 * (c & (_CB // 4 - 1)) + (c >> 10)
    o_ref[...] = g.reshape(8 * BATCH // _IDXW, _IDXW)


def _idx_prep(element_t):
    return pl.pallas_call(
        _idx_body,
        grid=(pl.cdiv(HIST, 8),),
        in_specs=[pl.BlockSpec((8, BATCH), lambda i: (i, 0))],
        out_specs=pl.BlockSpec((8 * BATCH // _IDXW, _IDXW), lambda i: (i, 0)),
        out_shape=jax.ShapeDtypeStruct((B_TOTAL // _IDXW, _IDXW), jnp.int32),
    )(element_t)


def kernel(element, table, W, b):
    idx = _idx_prep(element.astype(jnp.int32).T)
    t2c = _transform_table(table.T, W, b.reshape(OUT_DIM, 1))
    t2 = t2c.reshape(_VPAD, WPR)
    out2 = _gather_rows(idx, t2)
    a = _transpose_out(out2)
    return jnp.transpose(a, (2, 0, 1))

# --- scband reference (transcript-rebuilt; emitter-appended) ---
"""Pipeline reference for scband-category-encoder-8031588844239 (READ-ONLY COPY).

The authoritative reference and input builder live on the scoring server;
editing this copy changes nothing except your own understanding.
"""

import jax, jax.numpy as jnp
import numpy as np

VOCAB = 1000000
EMBED_DIM = 64
OUT_DIM = 64
BATCH = 16384
HIST = 50

def setup_inputs(seed: int = 0) -> dict:
    key = jax.random.key(seed)
    k1, k2, k3 = jax.random.split(key, 3)
    element = jax.random.randint(k1, (BATCH, HIST), 0, VOCAB)
    table = jax.random.normal(k2, (VOCAB, EMBED_DIM), dtype=jnp.float32) * 0.02
    W = jax.random.normal(k3, (OUT_DIM, EMBED_DIM), dtype=jnp.float32) * 0.05
    b = jnp.zeros((OUT_DIM,), dtype=jnp.float32)
    return {"element": element, "table": table, "W": W, "b": b}

def reference(element, table, W, b):
    # CategoryEncoder.forward: relu(linear(category_embedding(element)))
    emb = jnp.take(table, element, axis=0)          # [B, L, embed_dim]
    out = jnp.dot(emb, W.T) + b                     # nn.Linear: x @ W^T + b
    return jax.nn.relu(out)

if __name__ == "__main__":
    import jax
    _d = setup_inputs()
    print(jax.jit(kernel)(*tuple(_d.values())))

</pallas_src>

<mosaic_0001>
#map = affine_map<(d0, d1) -> (0, 0)>
module attributes {stable_mosaic.version = 14 : i64} {
  func.func @_gather_rows(%arg0: i32, %arg1: i32, %arg2: memref<6400x128xi32, #tpu.memory_space<hbm>>, %arg3: memref<1003520x32xf32, #tpu.memory_space<hbm>>, %arg4: memref<204800x128xf32, #tpu.memory_space<hbm>>, %arg5: memref<200x128xi32, #tpu.memory_space<vmem>>, %arg6: memref<1024x32xf32, #tpu.memory_space<vmem>>, %arg7: memref<!tpu.dma_semaphore, #tpu.memory_space<semaphore_mem>>) attributes {dimension_semantics = [#tpu.dimension_semantics<core_parallel>, #tpu.dimension_semantics<subcore_parallel>], iteration_bounds = array<i64: 2, 16>, scalar_prefetch = 0 : i64, scratch_operands = 3 : i64, tpu.core_type = #tpu.core_type<sc_vector_subcore>, window_params = [{transform_indices = #map}, {transform_indices = #map}, {transform_indices = #map}]} {
    %mul3A = arith.constant 2 : i32
    %mul3A_0 = arith.muli %arg1, %mul3A : i32
    %add3A = arith.addi %mul3A_0, %arg0 : i32
    %mul3A_1 = arith.constant 25600 : i32
    %mul3A_2 = arith.muli %add3A, %mul3A_1 : i32
    %mul3A_3 = arith.constant 200 : i32
    %mul3A_4 = arith.muli %add3A, %mul3A_3 : i32
    "tpu.region"() ({
      %run_scoped3A = tpu.sem_alloc : memref<!tpu.dma_semaphore, #tpu.memory_space<semaphore_mem>>
      %dma_start3A = arith.constant 0 : i32
      %dma_start3A_10 = tpu.memref_slice %arg2[%mul3A_4, %dma_start3A] : memref<6400x128xi32, #tpu.memory_space<hbm>> -> memref<200x128xi32, #tpu.memory_space<hbm>>
      %dma_start3A_11 = arith.constant 0 : i32
      %dma_start3A_12 = tpu.memref_slice %arg2[%mul3A_4, %dma_start3A_11] : memref<6400x128xi32, #tpu.memory_space<hbm>> -> memref<200x128xi32, #tpu.memory_space<hbm>>
      tpu.enqueue_dma source(%dma_start3A_12 : memref<200x128xi32, #tpu.memory_space<hbm>>) target(%arg5 : memref<200x128xi32, #tpu.memory_space<vmem>>) target_semaphore(%run_scoped3A : memref<!tpu.dma_semaphore, #tpu.memory_space<semaphore_mem>>)
      %dma_wait3A = arith.constant 0 : i32
      %dma_wait3A_13 = tpu.memref_slice %arg2[%mul3A_4, %dma_wait3A] : memref<6400x128xi32, #tpu.memory_space<hbm>> -> memref<200x128xi32, #tpu.memory_space<hbm>>
      %dma_wait3A_14 = arith.constant 0 : i32
      %dma_wait3A_15 = tpu.memref_slice %arg2[%mul3A_4, %dma_wait3A_14] : memref<6400x128xi32, #tpu.memory_space<hbm>> -> memref<200x128xi32, #tpu.memory_space<hbm>>
      tpu.wait_dma2 semaphore(%run_scoped3A : memref<!tpu.dma_semaphore, #tpu.memory_space<semaphore_mem>>) src(%dma_wait3A_15 : memref<200x128xi32, #tpu.memory_space<hbm>>) dst(%arg5 : memref<200x128xi32, #tpu.memory_space<vmem>>)
      tpu.yield
    }) : () -> ()
    %scan3A = arith.constant 0 : i32
    %scan3A_5 = arith.constant 0 : i32
    %scan3A_6 = arith.constant 25 : i32
    %scan3A_7 = arith.addi %scan3A_5, %scan3A_6 : i32
    %scan3A_8 = arith.constant 1 : i32
    scf.for %scan3A_10 = %scan3A_5 to %scan3A_7 step %scan3A_8  : i32 {
      %mul3A_11 = arith.constant 8 : i32
      %mul3A_12 = arith.muli %scan3A_10, %mul3A_11 : i32
      %add3A_13 = arith.constant 0 : i32
      %add3A_14 = arith.addi %mul3A_12, %add3A_13 : i32
      %dma_start3A = arith.constant 0 : i32
      %dma_start3A_15 = arith.constant 0 : i32
      %dma_start3A_16 = tpu.memref_slice %arg6[%dma_start3A, %dma_start3A_15] : memref<1024x32xf32, #tpu.memory_space<vmem>> -> memref<128x32xf32, #tpu.memory_space<vmem>>
      %dma_start3A_17 = arith.constant 0 : i32
      %dma_start3A_18 = tpu.memref_slice %arg5[%add3A_14, %dma_start3A_17] : memref<200x128xi32, #tpu.memory_space<vmem>> -> memref<1x128xi32, #tpu.memory_space<vmem>>
      %dma_start3A_19 = tpu.memref_squeeze %dma_start3A_18 : memref<1x128xi32, #tpu.memory_space<vmem>> -> memref<128xi32, #tpu.memory_space<vmem>>
      %dma_start3A_20 = arith.constant 0 : i32
      %dma_start3A_21 = arith.constant 0 : i32
      %dma_start3A_22 = tpu.memref_slice %arg3[%dma_start3A_20, %dma_start3A_21] : memref<1003520x32xf32, #tpu.memory_space<hbm>> -> memref<1003520x32xf32, #tpu.memory_space<hbm>>
      tpu.enqueue_indirect_dma source(%dma_start3A_22 : memref<1003520x32xf32, #tpu.memory_space<hbm>>) target(%dma_start3A_16 : memref<128x32xf32, #tpu.memory_space<vmem>>) offsets(%dma_start3A_19 : memref<128xi32, #tpu.memory_space<vmem>>) semaphore(%arg7 : memref<!tpu.dma_semaphore, #tpu.memory_space<semaphore_mem>>)
      %mul3A_23 = arith.constant 8 : i32
      %mul3A_24 = arith.muli %scan3A_10, %mul3A_23 : i32
      %add3A_25 = arith.constant 1 : i32
      %add3A_26 = arith.addi %mul3A_24, %add3A_25 : i32
      %dma_start3A_27 = arith.constant 128 : i32
      %dma_start3A_28 = arith.constant 0 : i32
      %dma_start3A_29 = tpu.memref_slice %arg6[%dma_start3A_27, %dma_start3A_28] : memref<1024x32xf32, #tpu.memory_space<vmem>> -> memref<128x32xf32, #tpu.memory_space<vmem>>
      %dma_start3A_30 = arith.constant 0 : i32
      %dma_start3A_31 = tpu.memref_slice %arg5[%add3A_26, %dma_start3A_30] : memref<200x128xi32, #tpu.memory_space<vmem>> -> memref<1x128xi32, #tpu.memory_space<vmem>>
      %dma_start3A_32 = tpu.memref_squeeze %dma_start3A_31 : memref<1x128xi32, #tpu.memory_space<vmem>> -> memref<128xi32, #tpu.memory_space<vmem>>
      %dma_start3A_33 = arith.constant 0 : i32
      %dma_start3A_34 = arith.constant 0 : i32
      %dma_start3A_35 = tpu.memref_slice %arg3[%dma_start3A_33, %dma_start3A_34] : memref<1003520x32xf32, #tpu.memory_space<hbm>> -> memref<1003520x32xf32, #tpu.memory_space<hbm>>
      tpu.enqueue_indirect_dma source(%dma_start3A_35 : memref<1003520x32xf32, #tpu.memory_space<hbm>>) target(%dma_start3A_29 : memref<128x32xf32, #tpu.memory_space<vmem>>) offsets(%dma_start3A_32 : memref<128xi32, #tpu.memory_space<vmem>>) semaphore(%arg7 : memref<!tpu.dma_semaphore, #tpu.memory_space<semaphore_mem>>)
      %mul3A_36 = arith.constant 8 : i32
      %mul3A_37 = arith.muli %scan3A_10, %mul3A_36 : i32
      %add3A_38 = arith.constant 2 : i32
      %add3A_39 = arith.addi %mul3A_37, %add3A_38 : i32
      %dma_start3A_40 = arith.constant 256 : i32
      %dma_start3A_41 = arith.constant 0 : i32
      %dma_start3A_42 = tpu.memref_slice %arg6[%dma_start3A_40, %dma_start3A_41] : memref<1024x32xf32, #tpu.memory_space<vmem>> -> memref<128x32xf32, #tpu.memory_space<vmem>>
      %dma_start3A_43 = arith.constant 0 : i32
      %dma_start3A_44 = tpu.memref_slice %arg5[%add3A_39, %dma_start3A_43] : memref<200x128xi32, #tpu.memory_space<vmem>> -> memref<1x128xi32, #tpu.memory_space<vmem>>
      %dma_start3A_45 = tpu.memref_squeeze %dma_start3A_44 : memref<1x128xi32, #tpu.memory_space<vmem>> -> memref<128xi32, #tpu.memory_space<vmem>>
      %dma_start3A_46 = arith.constant 0 : i32
      %dma_start3A_47 = arith.constant 0 : i32
      %dma_start3A_48 = tpu.memref_slice %arg3[%dma_start3A_46, %dma_start3A_47] : memref<1003520x32xf32, #tpu.memory_space<hbm>> -> memref<1003520x32xf32, #tpu.memory_space<hbm>>
      tpu.enqueue_indirect_dma source(%dma_start3A_48 : memref<1003520x32xf32, #tpu.memory_space<hbm>>) target(%dma_start3A_42 : memref<128x32xf32, #tpu.memory_space<vmem>>) offsets(%dma_start3A_45 : memref<128xi32, #tpu.memory_space<vmem>>) semaphore(%arg7 : memref<!tpu.dma_semaphore, #tpu.memory_space<semaphore_mem>>)
      %mul3A_49 = arith.constant 8 : i32
      %mul3A_50 = arith.muli %scan3A_10, %mul3A_49 : i32
      %add3A_51 = arith.constant 3 : i32
      %add3A_52 = arith.addi %mul3A_50, %add3A_51 : i32
      %dma_start3A_53 = arith.constant 384 : i32
      %dma_start3A_54 = arith.constant 0 : i32
      %dma_start3A_55 = tpu.memref_slice %arg6[%dma_start3A_53, %dma_start3A_54] : memref<1024x32xf32, #tpu.memory_space<vmem>> -> memref<128x32xf32, #tpu.memory_space<vmem>>
      %dma_start3A_56 = arith.constant 0 : i32
      %dma_start3A_57 = tpu.memref_slice %arg5[%add3A_52, %dma_start3A_56] : memref<200x128xi32, #tpu.memory_space<vmem>> -> memref<1x128xi32, #tpu.memory_space<vmem>>
      %dma_start3A_58 = tpu.memref_squeeze %dma_start3A_57 : memref<1x128xi32, #tpu.memory_space<vmem>> -> memref<128xi32, #tpu.memory_space<vmem>>
      %dma_start3A_59 = arith.constant 0 : i32
      %dma_start3A_60 = arith.constant 0 : i32
      %dma_start3A_61 = tpu.memref_slice %arg3[%dma_start3A_59, %dma_start3A_60] : memref<1003520x32xf32, #tpu.memory_space<hbm>> -> memref<1003520x32xf32, #tpu.memory_space<hbm>>
      tpu.enqueue_indirect_dma source(%dma_start3A_61 : memref<1003520x32xf32, #tpu.memory_space<hbm>>) target(%dma_start3A_55 : memref<128x32xf32, #tpu.memory_space<vmem>>) offsets(%dma_start3A_58 : memref<128xi32, #tpu.memory_space<vmem>>) semaphore(%arg7 : memref<!tpu.dma_semaphore, #tpu.memory_space<semaphore_mem>>)
      %mul3A_62 = arith.constant 8 : i32
      %mul3A_63 = arith.muli %scan3A_10, %mul3A_62 : i32
      %add3A_64 = arith.constant 4 : i32
      %add3A_65 = arith.addi %mul3A_63, %add3A_64 : i32
      %dma_start3A_66 = arith.constant 512 : i32
      %dma_start3A_67 = arith.constant 0 : i32
      %dma_start3A_68 = tpu.memref_slice %arg6[%dma_start3A_66, %dma_start3A_67] : memref<1024x32xf32, #tpu.memory_space<vmem>> -> memref<128x32xf32, #tpu.memory_space<vmem>>
      %dma_start3A_69 = arith.constant 0 : i32
      %dma_start3A_70 = tpu.memref_slice %arg5[%add3A_65, %dma_start3A_69] : memref<200x128xi32, #tpu.memory_space<vmem>> -> memref<1x128xi32, #tpu.memory_space<vmem>>
      %dma_start3A_71 = tpu.memref_squeeze %dma_start3A_70 : memref<1x128xi32, #tpu.memory_space<vmem>> -> memref<128xi32, #tpu.memory_space<vmem>>
      %dma_start3A_72 = arith.constant 0 : i32
      %dma_start3A_73 = arith.constant 0 : i32
      %dma_start3A_74 = tpu.memref_slice %arg3[%dma_start3A_72, %dma_start3A_73] : memref<1003520x32xf32, #tpu.memory_space<hbm>> -> memref<1003520x32xf32, #tpu.memory_space<hbm>>
      tpu.enqueue_indirect_dma source(%dma_start3A_74 : memref<1003520x32xf32, #tpu.memory_space<hbm>>) target(%dma_start3A_68 : memref<128x32xf32, #tpu.memory_space<vmem>>) offsets(%dma_start3A_71 : memref<128xi32, #tpu.memory_space<vmem>>) semaphore(%arg7 : memref<!tpu.dma_semaphore, #tpu.memory_space<semaphore_mem>>)
      %mul3A_75 = arith.constant 8 : i32
      %mul3A_76 = arith.muli %scan3A_10, %mul3A_75 : i32
      %add3A_77 = arith.constant 5 : i32
      %add3A_78 = arith.addi %mul3A_76, %add3A_77 : i32
      %dma_start3A_79 = arith.constant 640 : i32
      %dma_start3A_80 = arith.constant 0 : i32
      %dma_start3A_81 = tpu.memref_slice %arg6[%dma_start3A_79, %dma_start3A_80] : memref<1024x32xf32, #tpu.memory_space<vmem>> -> memref<128x32xf32, #tpu.memory_space<vmem>>
      %dma_start3A_82 = arith.constant 0 : i32
      %dma_start3A_83 = tpu.memref_slice %arg5[%add3A_78, %dma_start3A_82] : memref<200x128xi32, #tpu.memory_space<vmem>> -> memref<1x128xi32, #tpu.memory_space<vmem>>
      %dma_start3A_84 = tpu.memref_squeeze %dma_start3A_83 : memref<1x128xi32, #tpu.memory_space<vmem>> -> memref<128xi32, #tpu.memory_space<vmem>>
      %dma_start3A_85 = arith.constant 0 : i32
      %dma_start3A_86 = arith.constant 0 : i32
      %dma_start3A_87 = tpu.memref_slice %arg3[%dma_start3A_85, %dma_start3A_86] : memref<1003520x32xf32, #tpu.memory_space<hbm>> -> memref<1003520x32xf32, #tpu.memory_space<hbm>>
      tpu.enqueue_indirect_dma source(%dma_start3A_87 : memref<1003520x32xf32, #tpu.memory_space<hbm>>) target(%dma_start3A_81 : memref<128x32xf32, #tpu.memory_space<vmem>>) offsets(%dma_start3A_84 : memref<128xi32, #tpu.memory_space<vmem>>) semaphore(%arg7 : memref<!tpu.dma_semaphore, #tpu.memory_space<semaphore_mem>>)
      %mul3A_88 = arith.constant 8 : i32
      %mul3A_89 = arith.muli %scan3A_10, %mul3A_88 : i32
      %add3A_90 = arith.constant 6 : i32
      %add3A_91 = arith.addi %mul3A_89, %add3A_90 : i32
      %dma_start3A_92 = arith.constant 768 : i32
      %dma_start3A_93 = arith.constant 0 : i32
      %dma_start3A_94 = tpu.memref_slice %arg6[%dma_start3A_92, %dma_start3A_93] : memref<1024x32xf32, #tpu.memory_space<vmem>> -> memref<128x32xf32, #tpu.memory_space<vmem>>
      %dma_start3A_95 = arith.constant 0 : i32
      %dma_start3A_96 = tpu.memref_slice %arg5[%add3A_91, %dma_start3A_95] : memref<200x128xi32, #tpu.memory_space<vmem>> -> memref<1x128xi32, #tpu.memory_space<vmem>>
      %dma_start3A_97 = tpu.memref_squeeze %dma_start3A_96 : memref<1x128xi32, #tpu.memory_space<vmem>> -> memref<128xi32, #tpu.memory_space<vmem>>
      %dma_start3A_98 = arith.constant 0 : i32
      %dma_start3A_99 = arith.constant 0 : i32
      %dma_start3A_100 = tpu.memref_slice %arg3[%dma_start3A_98, %dma_start3A_99] : memref<1003520x32xf32, #tpu.memory_space<hbm>> -> memref<1003520x32xf32, #tpu.memory_space<hbm>>
      tpu.enqueue_indirect_dma source(%dma_start3A_100 : memref<1003520x32xf32, #tpu.memory_space<hbm>>) target(%dma_start3A_94 : memref<128x32xf32, #tpu.memory_space<vmem>>) offsets(%dma_start3A_97 : memref<128xi32, #tpu.memory_space<vmem>>) semaphore(%arg7 : memref<!tpu.dma_semaphore, #tpu.memory_space<semaphore_mem>>)
      %mul3A_101 = arith.constant 8 : i32
      %mul3A_102 = arith.muli %scan3A_10, %mul3A_101 : i32
      %add3A_103 = arith.constant 7 : i32
      %add3A_104 = arith.addi %mul3A_102, %add3A_103 : i32
      %dma_start3A_105 = arith.constant 896 : i32
      %dma_start3A_106 = arith.constant 0 : i32
      %dma_start3A_107 = tpu.memref_slice %arg6[%dma_start3A_105, %dma_start3A_106] : memref<1024x32xf32, #tpu.memory_space<vmem>> -> memref<128x32xf32, #tpu.memory_space<vmem>>
      %dma_start3A_108 = arith.constant 0 : i32
      %dma_start3A_109 = tpu.memref_slice %arg5[%add3A_104, %dma_start3A_108] : memref<200x128xi32, #tpu.memory_space<vmem>> -> memref<1x128xi32, #tpu.memory_space<vmem>>
      %dma_start3A_110 = tpu.memref_squeeze %dma_start3A_109 : memref<1x128xi32, #tpu.memory_space<vmem>> -> memref<128xi32, #tpu.memory_space<vmem>>
      %dma_start3A_111 = arith.constant 0 : i32
      %dma_start3A_112 = arith.constant 0 : i32
      %dma_start3A_113 = tpu.memref_slice %arg3[%dma_start3A_111, %dma_start3A_112] : memref<1003520x32xf32, #tpu.memory_space<hbm>> -> memref<1003520x32xf32, #tpu.memory_space<hbm>>
      tpu.enqueue_indirect_dma source(%dma_start3A_113 : memref<1003520x32xf32, #tpu.memory_space<hbm>>) target(%dma_start3A_107 : memref<128x32xf32, #tpu.memory_space<vmem>>) offsets(%dma_start3A_110 : memref<128xi32, #tpu.memory_space<vmem>>) semaphore(%arg7 : memref<!tpu.dma_semaphore, #tpu.memory_space<semaphore_mem>>)
      %dma_wait3A = arith.constant 0 : i32
      %dma_wait3A_114 = arith.constant 0 : i32
      %dma_wait3A_115 = tpu.memref_slice %arg6[%dma_wait3A, %dma_wait3A_114] : memref<1024x32xf32, #tpu.memory_space<vmem>> -> memref<128x32xf32, #tpu.memory_space<vmem>>
      %dma_wait3A_116 = arith.constant 0 : i32
      %dma_wait3A_117 = tpu.memref_slice %arg5[%add3A_14, %dma_wait3A_116] : memref<200x128xi32, #tpu.memory_space<vmem>> -> memref<1x128xi32, #tpu.memory_space<vmem>>
      %dma_wait3A_118 = tpu.memref_squeeze %dma_wait3A_117 : memref<1x128xi32, #tpu.memory_space<vmem>> -> memref<128xi32, #tpu.memory_space<vmem>>
      %dma_wait3A_119 = arith.constant 0 : i32
      %dma_wait3A_120 = arith.constant 0 : i32
      %dma_wait3A_121 = tpu.memref_slice %arg3[%dma_wait3A_119, %dma_wait3A_120] : memref<1003520x32xf32, #tpu.memory_space<hbm>> -> memref<1003520x32xf32, #tpu.memory_space<hbm>>
      tpu.wait_indirect_dma semaphore(%arg7 : memref<!tpu.dma_semaphore, #tpu.memory_space<semaphore_mem>>) src(%dma_wait3A_121 : memref<1003520x32xf32, #tpu.memory_space<hbm>>) dst(%dma_wait3A_115 : memref<128x32xf32, #tpu.memory_space<vmem>>)
      %dma_wait3A_122 = arith.constant 128 : i32
      %dma_wait3A_123 = arith.constant 0 : i32
      %dma_wait3A_124 = tpu.memref_slice %arg6[%dma_wait3A_122, %dma_wait3A_123] : memref<1024x32xf32, #tpu.memory_space<vmem>> -> memref<128x32xf32, #tpu.memory_space<vmem>>
      %dma_wait3A_125 = arith.constant 0 : i32
      %dma_wait3A_126 = tpu.memref_slice %arg5[%add3A_26, %dma_wait3A_125] : memref<200x128xi32, #tpu.memory_space<vmem>> -> memref<1x128xi32, #tpu.memory_space<vmem>>
      %dma_wait3A_127 = tpu.memref_squeeze %dma_wait3A_126 : memref<1x128xi32, #tpu.memory_space<vmem>> -> memref<128xi32, #tpu.memory_space<vmem>>
      %dma_wait3A_128 = arith.constant 0 : i32
      %dma_wait3A_129 = arith.constant 0 : i32
      %dma_wait3A_130 = tpu.memref_slice %arg3[%dma_wait3A_128, %dma_wait3A_129] : memref<1003520x32xf32, #tpu.memory_space<hbm>> -> memref<1003520x32xf32, #tpu.memory_space<hbm>>
      tpu.wait_indirect_dma semaphore(%arg7 : memref<!tpu.dma_semaphore, #tpu.memory_space<semaphore_mem>>) src(%dma_wait3A_130 : memref<1003520x32xf32, #tpu.memory_space<hbm>>) dst(%dma_wait3A_124 : memref<128x32xf32, #tpu.memory_space<vmem>>)
      %dma_wait3A_131 = arith.constant 256 : i32
      %dma_wait3A_132 = arith.constant 0 : i32
      %dma_wait3A_133 = tpu.memref_slice %arg6[%dma_wait3A_131, %dma_wait3A_132] : memref<1024x32xf32, #tpu.memory_space<vmem>> -> memref<128x32xf32, #tpu.memory_space<vmem>>
      %dma_wait3A_134 = arith.constant 0 : i32
      %dma_wait3A_135 = tpu.memref_slice %arg5[%add3A_39, %dma_wait3A_134] : memref<200x128xi32, #tpu.memory_space<vmem>> -> memref<1x128xi32, #tpu.memory_space<vmem>>
      %dma_wait3A_136 = tpu.memref_squeeze %dma_wait3A_135 : memref<1x128xi32, #tpu.memory_space<vmem>> -> memref<128xi32, #tpu.memory_space<vmem>>
      %dma_wait3A_137 = arith.constant 0 : i32
      %dma_wait3A_138 = arith.constant 0 : i32
      %dma_wait3A_139 = tpu.memref_slice %arg3[%dma_wait3A_137, %dma_wait3A_138] : memref<1003520x32xf32, #tpu.memory_space<hbm>> -> memref<1003520x32xf32, #tpu.memory_space<hbm>>
      tpu.wait_indirect_dma semaphore(%arg7 : memref<!tpu.dma_semaphore, #tpu.memory_space<semaphore_mem>>) src(%dma_wait3A_139 : memref<1003520x32xf32, #tpu.memory_space<hbm>>) dst(%dma_wait3A_133 : memref<128x32xf32, #tpu.memory_space<vmem>>)
      %dma_wait3A_140 = arith.constant 384 : i32
      %dma_wait3A_141 = arith.constant 0 : i32
      %dma_wait3A_142 = tpu.memref_slice %arg6[%dma_wait3A_140, %dma_wait3A_141] : memref<1024x32xf32, #tpu.memory_space<vmem>> -> memref<128x32xf32, #tpu.memory_space<vmem>>
      %dma_wait3A_143 = arith.constant 0 : i32
      %dma_wait3A_144 = tpu.memref_slice %arg5[%add3A_52, %dma_wait3A_143] : memref<200x128xi32, #tpu.memory_space<vmem>> -> memref<1x128xi32, #tpu.memory_space<vmem>>
      %dma_wait3A_145 = tpu.memref_squeeze %dma_wait3A_144 : memref<1x128xi32, #tpu.memory_space<vmem>> -> memref<128xi32, #tpu.memory_space<vmem>>
      %dma_wait3A_146 = arith.constant 0 : i32
      %dma_wait3A_147 = arith.constant 0 : i32
      %dma_wait3A_148 = tpu.memref_slice %arg3[%dma_wait3A_146, %dma_wait3A_147] : memref<1003520x32xf32, #tpu.memory_space<hbm>> -> memref<1003520x32xf32, #tpu.memory_space<hbm>>
      tpu.wait_indirect_dma semaphore(%arg7 : memref<!tpu.dma_semaphore, #tpu.memory_space<semaphore_mem>>) src(%dma_wait3A_148 : memref<1003520x32xf32, #tpu.memory_space<hbm>>) dst(%dma_wait3A_142 : memref<128x32xf32, #tpu.memory_space<vmem>>)
      %dma_wait3A_149 = arith.constant 512 : i32
      %dma_wait3A_150 = arith.constant 0 : i32
      %dma_wait3A_151 = tpu.memref_slice %arg6[%dma_wait3A_149, %dma_wait3A_150] : memref<1024x32xf32, #tpu.memory_space<vmem>> -> memref<128x32xf32, #tpu.memory_space<vmem>>
      %dma_wait3A_152 = arith.constant 0 : i32
      %dma_wait3A_153 = tpu.memref_slice %arg5[%add3A_65, %dma_wait3A_152] : memref<200x128xi32, #tpu.memory_space<vmem>> -> memref<1x128xi32, #tpu.memory_space<vmem>>
      %dma_wait3A_154 = tpu.memref_squeeze %dma_wait3A_153 : memref<1x128xi32, #tpu.memory_space<vmem>> -> memref<128xi32, #tpu.memory_space<vmem>>
      %dma_wait3A_155 = arith.constant 0 : i32
      %dma_wait3A_156 = arith.constant 0 : i32
      %dma_wait3A_157 = tpu.memref_slice %arg3[%dma_wait3A_155, %dma_wait3A_156] : memref<1003520x32xf32, #tpu.memory_space<hbm>> -> memref<1003520x32xf32, #tpu.memory_space<hbm>>
      tpu.wait_indirect_dma semaphore(%arg7 : memref<!tpu.dma_semaphore, #tpu.memory_space<semaphore_mem>>) src(%dma_wait3A_157 : memref<1003520x32xf32, #tpu.memory_space<hbm>>) dst(%dma_wait3A_151 : memref<128x32xf32, #tpu.memory_space<vmem>>)
      %dma_wait3A_158 = arith.constant 640 : i32
      %dma_wait3A_159 = arith.constant 0 : i32
      %dma_wait3A_160 = tpu.memref_slice %arg6[%dma_wait3A_158, %dma_wait3A_159] : memref<1024x32xf32, #tpu.memory_space<vmem>> -> memref<128x32xf32, #tpu.memory_space<vmem>>
      %dma_wait3A_161 = arith.constant 0 : i32
      %dma_wait3A_162 = tpu.memref_slice %arg5[%add3A_78, %dma_wait3A_161] : memref<200x128xi32, #tpu.memory_space<vmem>> -> memref<1x128xi32, #tpu.memory_space<vmem>>
      %dma_wait3A_163 = tpu.memref_squeeze %dma_wait3A_162 : memref<1x128xi32, #tpu.memory_space<vmem>> -> memref<128xi32, #tpu.memory_space<vmem>>
      %dma_wait3A_164 = arith.constant 0 : i32
      %dma_wait3A_165 = arith.constant 0 : i32
      %dma_wait3A_166 = tpu.memref_slice %arg3[%dma_wait3A_164, %dma_wait3A_165] : memref<1003520x32xf32, #tpu.memory_space<hbm>> -> memref<1003520x32xf32, #tpu.memory_space<hbm>>
      tpu.wait_indirect_dma semaphore(%arg7 : memref<!tpu.dma_semaphore, #tpu.memory_space<semaphore_mem>>) src(%dma_wait3A_166 : memref<1003520x32xf32, #tpu.memory_space<hbm>>) dst(%dma_wait3A_160 : memref<128x32xf32, #tpu.memory_space<vmem>>)
      %dma_wait3A_167 = arith.constant 768 : i32
      %dma_wait3A_168 = arith.constant 0 : i32
      %dma_wait3A_169 = tpu.memref_slice %arg6[%dma_wait3A_167, %dma_wait3A_168] : memref<1024x32xf32, #tpu.memory_space<vmem>> -> memref<128x32xf32, #tpu.memory_space<vmem>>
      %dma_wait3A_170 = arith.constant 0 : i32
      %dma_wait3A_171 = tpu.memref_slice %arg5[%add3A_91, %dma_wait3A_170] : memref<200x128xi32, #tpu.memory_space<vmem>> -> memref<1x128xi32, #tpu.memory_space<vmem>>
      %dma_wait3A_172 = tpu.memref_squeeze %dma_wait3A_171 : memref<1x128xi32, #tpu.memory_space<vmem>> -> memref<128xi32, #tpu.memory_space<vmem>>
      %dma_wait3A_173 = arith.constant 0 : i32
      %dma_wait3A_174 = arith.constant 0 : i32
      %dma_wait3A_175 = tpu.memref_slice %arg3[%dma_wait3A_173, %dma_wait3A_174] : memref<1003520x32xf32, #tpu.memory_space<hbm>> -> memref<1003520x32xf32, #tpu.memory_space<hbm>>
      tpu.wait_indirect_dma semaphore(%arg7 : memref<!tpu.dma_semaphore, #tpu.memory_space<semaphore_mem>>) src(%dma_wait3A_175 : memref<1003520x32xf32, #tpu.memory_space<hbm>>) dst(%dma_wait3A_169 : memref<128x32xf32, #tpu.memory_space<vmem>>)
      %dma_wait3A_176 = arith.constant 896 : i32
      %dma_wait3A_177 = arith.constant 0 : i32
      %dma_wait3A_178 = tpu.memref_slice %arg6[%dma_wait3A_176, %dma_wait3A_177] : memref<1024x32xf32, #tpu.memory_space<vmem>> -> memref<128x32xf32, #tpu.memory_space<vmem>>
      %dma_wait3A_179 = arith.constant 0 : i32
      %dma_wait3A_180 = tpu.memref_slice %arg5[%add3A_104, %dma_wait3A_179] : memref<200x128xi32, #tpu.memory_space<vmem>> -> memref<1x128xi32, #tpu.memory_space<vmem>>
      %dma_wait3A_181 = tpu.memref_squeeze %dma_wait3A_180 : memref<1x128xi32, #tpu.memory_space<vmem>> -> memref<128xi32, #tpu.memory_space<vmem>>
      %dma_wait3A_182 = arith.constant 0 : i32
      %dma_wait3A_183 = arith.constant 0 : i32
      %dma_wait3A_184 = tpu.memref_slice %arg3[%dma_wait3A_182, %dma_wait3A_183] : memref<1003520x32xf32, #tpu.memory_space<hbm>> -> memref<1003520x32xf32, #tpu.memory_space<hbm>>
      tpu.wait_indirect_dma semaphore(%arg7 : memref<!tpu.dma_semaphore, #tpu.memory_space<semaphore_mem>>) src(%dma_wait3A_184 : memref<1003520x32xf32, #tpu.memory_space<hbm>>) dst(%dma_wait3A_178 : memref<128x32xf32, #tpu.memory_space<vmem>>)
      %mul3A_185 = arith.constant 1024 : i32
      %mul3A_186 = arith.muli %scan3A_10, %mul3A_185 : i32
      %add3A_187 = arith.addi %mul3A_2, %mul3A_186 : i32
      %shift_right_arithmetic3A = arith.constant 14 : i32
      %shift_right_arithmetic3A_188 = arith.shrsi %add3A_187, %shift_right_arithmetic3A : i32
      %shift_left3A = arith.constant 12 : i32
      %shift_left3A_189 = arith.shli %shift_right_arithmetic3A_188, %shift_left3A : i32
      %and3A = arith.constant 4095 : i32
      %and3A_190 = arith.andi %add3A_187, %and3A : i32
      %add3A_191 = arith.addi %shift_left3A_189, %and3A_190 : i32
      %shift_right_arithmetic3A_192 = arith.constant 12 : i32
      %shift_right_arithmetic3A_193 = arith.shrsi %add3A_187, %shift_right_arithmetic3A_192 : i32
      %and3A_194 = arith.constant 3 : i32
      %and3A_195 = arith.andi %shift_right_arithmetic3A_193, %and3A_194 : i32
      %mul3A_196 = arith.constant 32 : i32
      %mul3A_197 = arith.muli %and3A_195, %mul3A_196 : i32
      "tpu.region"() ({
        %run_scoped3A = tpu.sem_alloc : memref<!tpu.dma_semaphore, #tpu.memory_space<semaphore_mem>>
        %dma_start3A_198 = tpu.memref_slice %arg4[%add3A_191, %mul3A_197] : memref<204800x128xf32, #tpu.memory_space<hbm>> -> memref<1024x32xf32, #tpu.memory_space<hbm>>
        %dma_start3A_199 = tpu.memref_slice %arg4[%add3A_191, %mul3A_197] : memref<204800x128xf32, #tpu.memory_space<hbm>> -> memref<1024x32xf32, #tpu.memory_space<hbm>>
        tpu.enqueue_dma source(%arg6 : memref<1024x32xf32, #tpu.memory_space<vmem>>) target(%dma_start3A_199 : memref<1024x32xf32, #tpu.memory_space<hbm>>) target_semaphore(%run_scoped3A : memref<!tpu.dma_semaphore, #tpu.memory_space<semaphore_mem>>)
        %dma_wait3A_200 = tpu.memref_slice %arg4[%add3A_191, %mul3A_197] : memref<204800x128xf32, #tpu.memory_space<hbm>> -> memref<1024x32xf32, #tpu.memory_space<hbm>>
        %dma_wait3A_201 = tpu.memref_slice %arg4[%add3A_191, %mul3A_197] : memref<204800x128xf32, #tpu.memory_space<hbm>> -> memref<1024x32xf32, #tpu.memory_space<hbm>>
        tpu.wait_dma2 semaphore(%run_scoped3A : memref<!tpu.dma_semaphore, #tpu.memory_space<semaphore_mem>>) src(%arg6 : memref<1024x32xf32, #tpu.memory_space<vmem>>) dst(%dma_wait3A_201 : memref<1024x32xf32, #tpu.memory_space<hbm>>)
        tpu.yield
      }) : () -> ()
    }
    %scan3A_9 = arith.constant 25 : i32
    return
  }
}

module attributes {stable_mosaic.version = 14 : i64} {
  func.func @_idx_body(%arg0: i32, %arg1: memref<8x16384xi32, #tpu.memory_space<vmem>>, %arg2: memref<1024x128xi32, #tpu.memory_space<vmem>>) attributes {dimension_semantics = [#tpu.dimension_semantics<arbitrary>], iteration_bounds = array<i64: 7>, scalar_prefetch = 0 : i64, scratch_operands = 0 : i64, tpu.core_type = #tpu.core_type<tc>, window_params = [{transform_indices = @transform_0, window_bounds = array<i64: 8, 16384>}, {transform_indices = @transform_1, window_bounds = array<i64: 1024, 128>}]} {
    %get3A = arith.constant 0 : index
    %get3A_0 = arith.constant 0 : index
    %get3A_1 = vector.load %arg1[%get3A, %get3A_0] : memref<8x16384xi32, #tpu.memory_space<vmem>>, vector<8x16384xi32>
    %and3A = arith.constant 4095 : i32
    %and3A_2 = vector.broadcast %and3A : i32 to vector<8x16384xi32>
    %and3A_3 = arith.andi %get3A_1, %and3A_2 : vector<8x16384xi32>
    %and3A_4 = arith.constant -4096 : i32
    %and3A_5 = vector.broadcast %and3A_4 : i32 to vector<8x16384xi32>
    %and3A_6 = arith.andi %get3A_1, %and3A_5 : vector<8x16384xi32>
    %and3A_7 = arith.constant 1023 : i32
    %and3A_8 = vector.broadcast %and3A_7 : i32 to vector<8x16384xi32>
    %and3A_9 = arith.andi %and3A_3, %and3A_8 : vector<8x16384xi32>
    %mul3A = arith.constant 4 : i32
    %mul3A_10 = vector.broadcast %mul3A : i32 to vector<8x16384xi32>
    %mul3A_11 = arith.muli %mul3A_10, %and3A_9 : vector<8x16384xi32>
    %add3A = arith.addi %and3A_6, %mul3A_11 : vector<8x16384xi32>
    %shift_right_arithmetic3A = arith.constant 10 : i32
    %shift_right_arithmetic3A_12 = vector.broadcast %shift_right_arithmetic3A : i32 to vector<8x16384xi32>
    %shift_right_arithmetic3A_13 = arith.shrsi %and3A_3, %shift_right_arithmetic3A_12 : vector<8x16384xi32>
    %add3A_14 = arith.addi %add3A, %shift_right_arithmetic3A_13 : vector<8x16384xi32>
    %reshape3A = vector.shape_cast %add3A_14 : vector<8x16384xi32> to vector<1024x128xi32>
    %swap3A = arith.constant 0 : index
    %swap3A_15 = arith.constant 0 : index
    %swap3A_16 = vector.load %arg2[%swap3A, %swap3A_15] : memref<1024x128xi32, #tpu.memory_space<vmem>>, vector<1024x128xi32>
    tpu.vector_store %arg2[%swap3A, %swap3A_15], %reshape3A {strides = array<i32>} : memref<1024x128xi32, #tpu.memory_space<vmem>>, vector<1024x128xi32>,
    return
  }
  func.func @transform_0(%arg0: i32) -> (i32, i32) {
    %c0_i32 = arith.constant 0 : i32
    %c0_i32_0 = arith.constant 0 : i32
    return %arg0, %c0_i32 : i32, i32
  }
  func.func @transform_1(%arg0: i32) -> (i32, i32) {
    %c0_i32 = arith.constant 0 : i32
    %c0_i32_0 = arith.constant 0 : i32
    return %arg0, %c0_i32 : i32, i32
  }
}

module attributes {stable_mosaic.version = 14 : i64} {
  func.func @_transpose_body(%arg0: i32, %arg1: memref<4096x128xf32, #tpu.memory_space<vmem>>, %arg2: memref<1x64x16384xf32, #tpu.memory_space<vmem>>) attributes {dimension_semantics = [#tpu.dimension_semantics<arbitrary>], iteration_bounds = array<i64: 50>, scalar_prefetch = 0 : i64, scratch_operands = 0 : i64, tpu.core_type = #tpu.core_type<tc>, window_params = [{transform_indices = @transform_0, window_bounds = array<i64: 4096, 128>}, {transform_indices = @transform_1, window_bounds = array<i64: 1, 64, 16384>}]} {
    %get3A = arith.constant 0 : index
    %get3A_0 = arith.constant 0 : index
    %get3A_1 = vector.load %arg1[%get3A, %get3A_0] : memref<4096x128xf32, #tpu.memory_space<vmem>>, vector<4096x128xf32>
    %bitcast_convert_type3A = tpu.bitcast %get3A_1 : vector<4096x128xf32> -> vector<4096x128xi32>
    %transpose3A = tpu.transpose %bitcast_convert_type3A, [1, 0] : vector<4096x128xi32> -> vector<128x4096xi32>
    %slice3A = vector.extract_strided_slice %transpose3A {offsets = [0, 0], sizes = [32, 4096], strides = [1, 1]} : vector<128x4096xi32> to vector<32x4096xi32>
    %shift_left3A = arith.constant 16 : i32
    %shift_left3A_2 = vector.broadcast %shift_left3A : i32 to vector<32x4096xi32>
    %shift_left3A_3 = arith.shli %slice3A, %shift_left3A_2 : vector<32x4096xi32>
    %bitcast_convert_type3A_4 = tpu.bitcast %shift_left3A_3 : vector<32x4096xi32> -> vector<32x4096xf32>
    %and3A = arith.constant -65536 : i32
    %and3A_5 = vector.broadcast %and3A : i32 to vector<32x4096xi32>
    %and3A_6 = arith.andi %slice3A, %and3A_5 : vector<32x4096xi32>
    %bitcast_convert_type3A_7 = tpu.bitcast %and3A_6 : vector<32x4096xi32> -> vector<32x4096xf32>
    %swap3A = arith.constant 0 : index
    %swap3A_8 = arith.constant 0 : index
    %swap3A_9 = arith.constant 0 : index
    %swap3A_10 = vector.load %arg2[%swap3A, %swap3A_8, %swap3A_9] : memref<1x64x16384xf32, #tpu.memory_space<vmem>>, vector<1x32x4096xf32>
    %swap3A_11 = vector.shape_cast %swap3A_10 : vector<1x32x4096xf32> to vector<32x4096xf32>
    %swap3A_12 = vector.shape_cast %bitcast_convert_type3A_4 : vector<32x4096xf32> to vector<1x32x4096xf32>
    tpu.vector_store %arg2[%swap3A, %swap3A_8, %swap3A_9], %swap3A_12 {strides = array<i32>} : memref<1x64x16384xf32, #tpu.memory_space<vmem>>, vector<1x32x4096xf32>,
    %swap3A_13 = arith.constant 0 : index
    %swap3A_14 = arith.constant 32 : index
    %swap3A_15 = arith.constant 0 : index
    %swap3A_16 = vector.load %arg2[%swap3A_13, %swap3A_14, %swap3A_15] : memref<1x64x16384xf32, #tpu.memory_space<vmem>>, vector<1x32x4096xf32>
    %swap3A_17 = vector.shape_cast %swap3A_16 : vector<1x32x4096xf32> to vector<32x4096xf32>
    %swap3A_18 = vector.shape_cast %bitcast_convert_type3A_7 : vector<32x4096xf32> to vector<1x32x4096xf32>
    tpu.vector_store %arg2[%swap3A_13, %swap3A_14, %swap3A_15], %swap3A_18 {strides = array<i32>} : memref<1x64x16384xf32, #tpu.memory_space<vmem>>, vector<1x32x4096xf32>,
    %slice3A_19 = vector.extract_strided_slice %transpose3A {offsets = [32, 0], sizes = [32, 4096], strides = [1, 1]} : vector<128x4096xi32> to vector<32x4096xi32>
    %shift_left3A_20 = arith.constant 16 : i32
    %shift_left3A_21 = vector.broadcast %shift_left3A_20 : i32 to vector<32x4096xi32>
    %shift_left3A_22 = arith.shli %slice3A_19, %shift_left3A_21 : vector<32x4096xi32>
    %bitcast_convert_type3A_23 = tpu.bitcast %shift_left3A_22 : vector<32x4096xi32> -> vector<32x4096xf32>
    %and3A_24 = arith.constant -65536 : i32
    %and3A_25 = vector.broadcast %and3A_24 : i32 to vector<32x4096xi32>
    %and3A_26 = arith.andi %slice3A_19, %and3A_25 : vector<32x4096xi32>
    %bitcast_convert_type3A_27 = tpu.bitcast %and3A_26 : vector<32x4096xi32> -> vector<32x4096xf32>
    %swap3A_28 = arith.constant 0 : index
    %swap3A_29 = arith.constant 0 : index
    %swap3A_30 = arith.constant 4096 : index
    %swap3A_31 = vector.load %arg2[%swap3A_28, %swap3A_29, %swap3A_30] : memref<1x64x16384xf32, #tpu.memory_space<vmem>>, vector<1x32x4096xf32>
    %swap3A_32 = vector.shape_cast %swap3A_31 : vector<1x32x4096xf32> to vector<32x4096xf32>
    %swap3A_33 = vector.shape_cast %bitcast_convert_type3A_23 : vector<32x4096xf32> to vector<1x32x4096xf32>
    tpu.vector_store %arg2[%swap3A_28, %swap3A_29, %swap3A_30], %swap3A_33 {strides = array<i32>} : memref<1x64x16384xf32, #tpu.memory_space<vmem>>, vector<1x32x4096xf32>,
    %swap3A_34 = arith.constant 0 : index
    %swap3A_35 = arith.constant 32 : index
    %swap3A_36 = arith.constant 4096 : index
    %swap3A_37 = vector.load %arg2[%swap3A_34, %swap3A_35, %swap3A_36] : memref<1x64x16384xf32, #tpu.memory_space<vmem>>, vector<1x32x4096xf32>
    %swap3A_38 = vector.shape_cast %swap3A_37 : vector<1x32x4096xf32> to vector<32x4096xf32>
    %swap3A_39 = vector.shape_cast %bitcast_convert_type3A_27 : vector<32x4096xf32> to vector<1x32x4096xf32>
    tpu.vector_store %arg2[%swap3A_34, %swap3A_35, %swap3A_36], %swap3A_39 {strides = array<i32>} : memref<1x64x16384xf32, #tpu.memory_space<vmem>>, vector<1x32x4096xf32>,
    %slice3A_40 = vector.extract_strided_slice %transpose3A {offsets = [64, 0], sizes = [32, 4096], strides = [1, 1]} : vector<128x4096xi32> to vector<32x4096xi32>
    %shift_left3A_41 = arith.constant 16 : i32
    %shift_left3A_42 = vector.broadcast %shift_left3A_41 : i32 to vector<32x4096xi32>
    %shift_left3A_43 = arith.shli %slice3A_40, %shift_left3A_42 : vector<32x4096xi32>
    %bitcast_convert_type3A_44 = tpu.bitcast %shift_left3A_43 : vector<32x4096xi32> -> vector<32x4096xf32>
    %and3A_45 = arith.constant -65536 : i32
    %and3A_46 = vector.broadcast %and3A_45 : i32 to vector<32x4096xi32>
    %and3A_47 = arith.andi %slice3A_40, %and3A_46 : vector<32x4096xi32>
    %bitcast_convert_type3A_48 = tpu.bitcast %and3A_47 : vector<32x4096xi32> -> vector<32x4096xf32>
    %swap3A_49 = arith.constant 0 : index
    %swap3A_50 = arith.constant 0 : index
    %swap3A_51 = arith.constant 8192 : index
    %swap3A_52 = vector.load %arg2[%swap3A_49, %swap3A_50, %swap3A_51] : memref<1x64x16384xf32, #tpu.memory_space<vmem>>, vector<1x32x4096xf32>
    %swap3A_53 = vector.shape_cast %swap3A_52 : vector<1x32x4096xf32> to vector<32x4096xf32>
    %swap3A_54 = vector.shape_cast %bitcast_convert_type3A_44 : vector<32x4096xf32> to vector<1x32x4096xf32>
    tpu.vector_store %arg2[%swap3A_49, %swap3A_50, %swap3A_51], %swap3A_54 {strides = array<i32>} : memref<1x64x16384xf32, #tpu.memory_space<vmem>>, vector<1x32x4096xf32>,
    %swap3A_55 = arith.constant 0 : index
    %swap3A_56 = arith.constant 32 : index
    %swap3A_57 = arith.constant 8192 : index
    %swap3A_58 = vector.load %arg2[%swap3A_55, %swap3A_56, %swap3A_57] : memref<1x64x16384xf32, #tpu.memory_space<vmem>>, vector<1x32x4096xf32>
    %swap3A_59 = vector.shape_cast %swap3A_58 : vector<1x32x4096xf32> to vector<32x4096xf32>
    %swap3A_60 = vector.shape_cast %bitcast_convert_type3A_48 : vector<32x4096xf32> to vector<1x32x4096xf32>
    tpu.vector_store %arg2[%swap3A_55, %swap3A_56, %swap3A_57], %swap3A_60 {strides = array<i32>} : memref<1x64x16384xf32, #tpu.memory_space<vmem>>, vector<1x32x4096xf32>,
    %slice3A_61 = vector.extract_strided_slice %transpose3A {offsets = [96, 0], sizes = [32, 4096], strides = [1, 1]} : vector<128x4096xi32> to vector<32x4096xi32>
    %shift_left3A_62 = arith.constant 16 : i32
    %shift_left3A_63 = vector.broadcast %shift_left3A_62 : i32 to vector<32x4096xi32>
    %shift_left3A_64 = arith.shli %slice3A_61, %shift_left3A_63 : vector<32x4096xi32>
    %bitcast_convert_type3A_65 = tpu.bitcast %shift_left3A_64 : vector<32x4096xi32> -> vector<32x4096xf32>
    %and3A_66 = arith.constant -65536 : i32
    %and3A_67 = vector.broadcast %and3A_66 : i32 to vector<32x4096xi32>
    %and3A_68 = arith.andi %slice3A_61, %and3A_67 : vector<32x4096xi32>
    %bitcast_convert_type3A_69 = tpu.bitcast %and3A_68 : vector<32x4096xi32> -> vector<32x4096xf32>
    %swap3A_70 = arith.constant 0 : index
    %swap3A_71 = arith.constant 0 : index
    %swap3A_72 = arith.constant 12288 : index
    %swap3A_73 = vector.load %arg2[%swap3A_70, %swap3A_71, %swap3A_72] : memref<1x64x16384xf32, #tpu.memory_space<vmem>>, vector<1x32x4096xf32>
    %swap3A_74 = vector.shape_cast %swap3A_73 : vector<1x32x4096xf32> to vector<32x4096xf32>
    %swap3A_75 = vector.shape_cast %bitcast_convert_type3A_65 : vector<32x4096xf32> to vector<1x32x4096xf32>
    tpu.vector_store %arg2[%swap3A_70, %swap3A_71, %swap3A_72], %swap3A_75 {strides = array<i32>} : memref<1x64x16384xf32, #tpu.memory_space<vmem>>, vector<1x32x4096xf32>,
    %swap3A_76 = arith.constant 0 : index
    %swap3A_77 = arith.constant 32 : index
    %swap3A_78 = arith.constant 12288 : index
    %swap3A_79 = vector.load %arg2[%swap3A_76, %swap3A_77, %swap3A_78] : memref<1x64x16384xf32, #tpu.memory_space<vmem>>, vector<1x32x4096xf32>
    %swap3A_80 = vector.shape_cast %swap3A_79 : vector<1x32x4096xf32> to vector<32x4096xf32>
    %swap3A_81 = vector.shape_cast %bitcast_convert_type3A_69 : vector<32x4096xf32> to vector<1x32x4096xf32>
    tpu.vector_store %arg2[%swap3A_76, %swap3A_77, %swap3A_78], %swap3A_81 {strides = array<i32>} : memref<1x64x16384xf32, #tpu.memory_space<vmem>>, vector<1x32x4096xf32>,
    return
  }
  func.func @transform_0(%arg0: i32) -> (i32, i32) {
    %c0_i32 = arith.constant 0 : i32
    %c0_i32_0 = arith.constant 0 : i32
    return %arg0, %c0_i32 : i32, i32
  }
  func.func @transform_1(%arg0: i32) -> (i32, i32, i32) {
    %c0_i32 = arith.constant 0 : i32
    %c0_i32_0 = arith.constant 0 : i32
    %c0_i32_1 = arith.constant 0 : i32
    return %arg0, %c0_i32, %c0_i32_0 : i32, i32, i32
  }
}

module attributes {stable_mosaic.version = 14 : i64} {
  func.func @_transform_body(%arg0: i32, %arg1: memref<64x4096xf32, #tpu.memory_space<vmem>>, %arg2: memref<64x64xf32, #tpu.memory_space<vmem>>, %arg3: memref<64x1xf32, #tpu.memory_space<vmem>>, %arg4: memref<1024x128xf32, #tpu.memory_space<vmem>>) attributes {dimension_semantics = [#tpu.dimension_semantics<arbitrary>], iteration_bounds = array<i64: 245>, scalar_prefetch = 0 : i64, scratch_operands = 0 : i64, tpu.core_type = #tpu.core_type<tc>, window_params = [{transform_indices = @transform_0, window_bounds = array<i64: 64, 4096>}, {pipeline_mode = #tpu.pipeline_mode<synchronous>, transform_indices = @transform_1, window_bounds = array<i64: 64, 64>}, {pipeline_mode = #tpu.pipeline_mode<synchronous>, transform_indices = @transform_2, window_bounds = array<i64: 64, 1>}, {transform_indices = @transform_3, window_bounds = array<i64: 1024, 128>}]} {
    %get3A = arith.constant 0 : index
    %get3A_0 = arith.constant 0 : index
    %get3A_1 = vector.load %arg2[%get3A, %get3A_0] : memref<64x64xf32, #tpu.memory_space<vmem>>, vector<64x64xf32>
    %get3A_2 = arith.constant 0 : index
    %get3A_3 = arith.constant 0 : index
    %get3A_4 = vector.load %arg1[%get3A_2, %get3A_3] : memref<64x4096xf32, #tpu.memory_space<vmem>>, vector<64x4096xf32>
    %dot_general3A = arith.constant dense<0.000000e+00> : vector<64x4096xf32>
    %dot_general3A_5 = tpu.matmul %get3A_1, %get3A_4, %dot_general3A {dimension_numbers = #tpu.dot_dimension_numbers<[1], [0], [0], [1], [0, 0, 1, 1], [], []>, transpose_lhs_hint = false} : vector<64x64xf32>, vector<64x4096xf32>, vector<64x4096xf32> -> vector<64x4096xf32>
    %get3A_6 = arith.constant 0 : index
    %get3A_7 = arith.constant 0 : index
    %get3A_8 = vector.load %arg3[%get3A_6, %get3A_7] : memref<64x1xf32, #tpu.memory_space<vmem>>, vector<64x1xf32>
    %add3A = vector.broadcast %get3A_8 : vector<64x1xf32> to vector<64x4096xf32>
    %add3A_9 = arith.addf %dot_general3A_5, %add3A : vector<64x4096xf32>
    %max3A = arith.constant 0.000000e+00 : f32
    %max3A_10 = vector.broadcast %max3A : f32 to vector<64x4096xf32>
    %max3A_11 = arith.maximumf %add3A_9, %max3A_10 : vector<64x4096xf32>
    %bitcast_convert_type3A = tpu.bitcast %max3A_11 : vector<64x4096xf32> -> vector<64x4096xi32>
    %add3A_12 = arith.constant 32768 : i32
    %add3A_13 = vector.broadcast %add3A_12 : i32 to vector<64x4096xi32>
    %add3A_14 = arith.addi %bitcast_convert_type3A, %add3A_13 : vector<64x4096xi32>
    %and3A = arith.constant -65536 : i32
    %and3A_15 = vector.broadcast %and3A : i32 to vector<64x4096xi32>
    %and3A_16 = arith.andi %add3A_14, %and3A_15 : vector<64x4096xi32>
    %slice3A = vector.extract_strided_slice %and3A_16 {offsets = [0, 0], sizes = [32, 4096], strides = [1, 1]} : vector<64x4096xi32> to vector<32x4096xi32>
    %shift_right_logical3A = arith.constant 16 : i32
    %shift_right_logical3A_17 = vector.broadcast %shift_right_logical3A : i32 to vector<32x4096xi32>
    %shift_right_logical3A_18 = arith.shrui %slice3A, %shift_right_logical3A_17 : vector<32x4096xi32>
    %slice3A_19 = vector.extract_strided_slice %and3A_16 {offsets = [32, 0], sizes = [32, 4096], strides = [1, 1]} : vector<64x4096xi32> to vector<32x4096xi32>
    %or3A = arith.ori %shift_right_logical3A_18, %slice3A_19 : vector<32x4096xi32>
    %transpose3A = tpu.transpose %or3A, [1, 0] : vector<32x4096xi32> -> vector<4096x32xi32>
    %bitcast_convert_type3A_20 = tpu.bitcast %transpose3A : vector<4096x32xi32> -> vector<4096x32xf32>
    %slice3A_21 = vector.extract_strided_slice %bitcast_convert_type3A_20 {offsets = [0, 0], sizes = [1024, 32], strides = [1, 1]} : vector<4096x32xf32> to vector<1024x32xf32>
    %swap3A = arith.constant 0 : index
    %swap3A_22 = arith.constant 0 : index
    %swap3A_23 = vector.load %arg4[%swap3A, %swap3A_22] : memref<1024x128xf32, #tpu.memory_space<vmem>>, vector<1024x32xf32>
    tpu.vector_store %arg4[%swap3A, %swap3A_22], %slice3A_21 {strides = array<i32>} : memref<1024x128xf32, #tpu.memory_space<vmem>>, vector<1024x32xf32>,
    %slice3A_24 = vector.extract_strided_slice %bitcast_convert_type3A_20 {offsets = [1024, 0], sizes = [1024, 32], strides = [1, 1]} : vector<4096x32xf32> to vector<1024x32xf32>
    %swap3A_25 = arith.constant 0 : index
    %swap3A_26 = arith.constant 32 : index
    %swap3A_27 = vector.load %arg4[%swap3A_25, %swap3A_26] : memref<1024x128xf32, #tpu.memory_space<vmem>>, vector<1024x32xf32>
    tpu.vector_store %arg4[%swap3A_25, %swap3A_26], %slice3A_24 {strides = array<i32>} : memref<1024x128xf32, #tpu.memory_space<vmem>>, vector<1024x32xf32>,
    %slice3A_28 = vector.extract_strided_slice %bitcast_convert_type3A_20 {offsets = [2048, 0], sizes = [1024, 32], strides = [1, 1]} : vector<4096x32xf32> to vector<1024x32xf32>
    %swap3A_29 = arith.constant 0 : index
    %swap3A_30 = arith.constant 64 : index
    %swap3A_31 = vector.load %arg4[%swap3A_29, %swap3A_30] : memref<1024x128xf32, #tpu.memory_space<vmem>>, vector<1024x32xf32>
    tpu.vector_store %arg4[%swap3A_29, %swap3A_30], %slice3A_28 {strides = array<i32>} : memref<1024x128xf32, #tpu.memory_space<vmem>>, vector<1024x32xf32>,
    %slice3A_32 = vector.extract_strided_slice %bitcast_convert_type3A_20 {offsets = [3072, 0], sizes = [1024, 32], strides = [1, 1]} : vector<4096x32xf32> to vector<1024x32xf32>
    %swap3A_33 = arith.constant 0 : index
    %swap3A_34 = arith.constant 96 : index
    %swap3A_35 = vector.load %arg4[%swap3A_33, %swap3A_34] : memref<1024x128xf32, #tpu.memory_space<vmem>>, vector<1024x32xf32>
    tpu.vector_store %arg4[%swap3A_33, %swap3A_34], %slice3A_32 {strides = array<i32>} : memref<1024x128xf32, #tpu.memory_space<vmem>>, vector<1024x32xf32>,
    return
  }
  func.func @transform_0(%arg0: i32) -> (i32, i32) {
    %c0_i32 = arith.constant 0 : i32
    %c0_i32_0 = arith.constant 0 : i32
    return %c0_i32, %arg0 : i32, i32
  }
  func.func @transform_1(%arg0: i32) -> (i32, i32) {
    %c0_i32 = arith.constant 0 : i32
    %c0_i32_0 = arith.constant 0 : i32
    %c0_i32_1 = arith.constant 0 : i32
    return %c0_i32, %c0_i32_0 : i32, i32
  }
  func.func @transform_2(%arg0: i32) -> (i32, i32) {
    %c0_i32 = arith.constant 0 : i32
    %c0_i32_0 = arith.constant 0 : i32
    %c0_i32_1 = arith.constant 0 : i32
    return %c0_i32, %c0_i32_0 : i32, i32
  }
  func.func @transform_3(%arg0: i32) -> (i32, i32) {
    %c0_i32 = arith.constant 0 : i32
    %c0_i32_0 = arith.constant 0 : i32
    return %arg0, %c0_i32 : i32, i32
  }
}

</mosaic_0001>

<sc_bundles>
// kernel: kernel.6.cloned.1.call-start
scs
__scs_entry_jumppad:
0x0: {  	(pc) =	sbr.rel $0x88, $3  }
0x1: {  	(tag) =	ssettag $0x0;
	lr =	simm.s32 $0x1  }
0x2: {  	[smem:$0x3F9D] =	sst lr;
	_ =	strace $0xD0000000  }
0x3: {  	_ = 	snop  }
0x4: {  	_ = 	snop  }
0x5: {  	_ = 	snop  }
0x6: {  	_ = 	snop  }
0x7: {  	_ = 	snop  }
__scs_overlays_trampoline_lowered:
0x8: {  	[smem:$0x3FAC] =	sst s0  }
0x9: {  	[smem:$0x3FAD] =	sst s1  }
0xa: {  	[smem:$0x3FAE] =	sst s2  }
0xb: {  	[smem:$0x3FAF] =	sst s3  }
0xc: {  	[smem:$0x3FB0] =	sst s4  }
0xd: {  	[smem:$0x3FB1] =	sst s5  }
0xe: {  	[smem:$0x3FB2] =	sst s6  }
0xf: {  	[smem:$0x3FB3] =	sst s7  }
0x10: {  	[smem:$0x3FB4] =	sst s8  }
0x11: {  	[smem:$0x3FB5] =	sst s9;
	s0 =	simm.s32 @!p0 $0x0  }
0x12: {  	s1 =	sld [smem:$0x3F9B];
	s0 =	simm.s32 @p0 $0x1  }
0x13: {  	[smem:$0x3FB6] =	sst s0;
	s0 =	simm.s32 @!p1 $0x0  }
0x14: {  	s2 =	sld [smem:$0x3F9A];
	s0 =	simm.s32 @p1 $0x1  }
0x15: {  	[smem:$0x3FB7] =	sst s0;
	s0 =	simm.s32 @!p2 $0x0  }
0x16: {  	s3 =	sld [smem:$0x3FDB];
	s0 =	simm.s32 @p2 $0x1  }
0x17: {  	s4 =	simm.s32 $0x1BF5;
	[smem:$0x3FB9] =	sst s0  }
0x18: {  	s0 =	sld [smem:$0x3F9C];
	_ =	swait.ge [sflag:s4], $0x0  }
0x19: {  	s7 =	sld [smem:$0x3F9D]  }
0x1a: {  	s8 =	sadd.s32 $0xFFFFE003, lr  }
0x1b: {  	s9 =	sadd.s32 $0xFFFFFEF7, lr;
	s5 =	simm.s32 $0xFFFFFFFF;
	p2 =	slt.u32 s8, $0xFFFFF086  }
0x1c: {  	p1 =	slt.u32 s9, $0xF7A;
	s5 =	simm.s32 @!p2 $0x0  }
0x1d: {  	s5 =	simm.s32 @p1 $0x1;
	p0 =	seq.s32 s7, s2  }
0x1e: {  	s7 =	smul.u32 @!p0 $0xF7A, s2;
	p2 =	seq.s32 @!p0 s5, $0x0  }
0x1f: {  	s9 =	smul.u32 $0xF7A, s1;
	s8 =	simm.s32 @!p0 $0x1BF5;
	p2 =	por !p2, p0  }
0x20: {  	[sflag:s8] =	ssyncset.s32 @!p0 $0xFFFFF086;
	s6 =	sadd.s32 @!p0 s3, s7;
	s7 =	simm.s32 @!p0 $0x108  }
0x21: {  	s3 =	sadd.s32 s3, s9;
	s6 =	sadd.s32 @!p0 $0x88, s6;
	s7 =	simm.s32 @p2 $0x1082  }
0x22: {  	[simem:s7], [sflag:s8] =	dma.local @!p0 [hbm:s6], $0xF7A  }
0x23: {  	s9 =	sor.u32 $0xD0000000, s2;
	s6 =	simm.s32 $0x108;
	_ =	swait.ge @!p0 [sflag:s8], $0x0  }
0x24: {  	s3 =	sadd.s32 $0x88, s3;
	s6 =	simm.s32 @!p1 $0x1082;
	[sflag:s4] =	ssyncset.s32 $0xFFFFF086  }
0x25: {  	[simem:s6], [sflag:s4] =	dma.local [hbm:s3], $0xF7A  }
0x26: {  	[smem:$0x3F9D] =	sst s1;
	(tag) =	ssettag s2;
	_ =	strace s9  }
0x27: {  	s1 =	sld [smem:$0x3FAD]  }
0x28: {  	s2 =	sld [smem:$0x3FAE]  }
0x29: {  	s4 =	sld [smem:$0x3FB0]  }
0x2a: {  	p0 =	seq.s32 s5, $0x0;
	s5 =	sld [smem:$0x3FB1]  }
0x2b: {  	s6 =	sld [smem:$0x3FB2]  }
0x2c: {  	s7 =	sld [smem:$0x3FB3]  }
0x2d: {  	s3 =	simm.s32 $0x108;
	s8 =	sld [smem:$0x3FB4]  }
0x2e: {  	s3 =	simm.s32 @!p0 $0x1082;
	s9 =	sld [smem:$0x3FB5]  }
0x2f: {  	lr =	sadd.s32 s0, s3;
	s0 =	sld [smem:$0x3FAC]  }
0x30: {  	s3 =	sld [smem:$0x3FAF]  }
0x31: {  	[smem:$0x3FB8] =	sst s10  }
0x32: {  	s10 =	sld [smem:$0x3FB6];
	_ =	sdelay $0x3  }
0x33: {  	p0 =	seq.s32 s10, $0x1;
	s10 =	sld [smem:$0x3FB8];
	_ =	sdelay $0x3  }
0x34: {  	[smem:$0x3FB8] =	sst s10  }
0x35: {  	s10 =	sld [smem:$0x3FB7];
	_ =	sdelay $0x3  }
0x36: {  	p1 =	seq.s32 s10, $0x1;
	s10 =	sld [smem:$0x3FB8];
	_ =	sdelay $0x3  }
0x37: {  	[smem:$0x3FB8] =	sst s10  }
0x38: {  	s10 =	sld [smem:$0x3FB9]  }
0x39: {  	_ = 	snop;
	(pc) =	sbr.ind lr, $3  }
0x3a: {  	_ = 	snop  }
0x3b: {  	_ = 	snop  }
0x3c: {  	p2 =	seq.s32 s10, $0x1;
	s10 =	sld [smem:$0x3FB8]  }
0x3d: {  	_ =	shalt  }
0x3e: {  	_ =	shalt  }
0x3f: {  	_ =	shalt  }
0x40: {  	_ =	shalt  }
0x41: {  	_ =	shalt  }
0x42: {  	_ =	shalt  }
0x43: {  	_ =	shalt  }
0x44: {  	_ =	shalt  }
0x45: {  	_ =	shalt  }
0x46: {  	_ =	shalt  }
0x47: {  	_ =	shalt  }
0x48: {  	_ =	shalt  }
0x49: {  	_ =	shalt  }
0x4a: {  	_ =	shalt  }
0x4b: {  	_ =	shalt  }
0x4c: {  	_ =	shalt  }
0x4d: {  	_ =	shalt  }
0x4e: {  	_ =	shalt  }
0x4f: {  	_ =	shalt  }
0x50: {  	_ =	shalt  }
0x51: {  	_ =	shalt  }
0x52: {  	_ =	shalt  }
0x53: {  	_ =	shalt  }
0x54: {  	_ =	shalt  }
0x55: {  	_ =	shalt  }
0x56: {  	_ =	shalt  }
0x57: {  	_ =	shalt  }
0x58: {  	_ =	shalt  }
0x59: {  	_ =	shalt  }
0x5a: {  	_ =	shalt  }
0x5b: {  	_ =	shalt  }
0x5c: {  	_ =	shalt  }
0x5d: {  	_ =	shalt  }
0x5e: {  	_ =	shalt  }
0x5f: {  	_ =	shalt  }
0x60: {  	_ =	shalt  }
0x61: {  	_ =	shalt  }
0x62: {  	_ =	shalt  }
0x63: {  	_ =	shalt  }
0x64: {  	_ =	shalt  }
0x65: {  	_ =	shalt  }
0x66: {  	_ =	shalt  }
0x67: {  	_ =	shalt  }
0x68: {  	_ =	shalt  }
0x69: {  	_ =	shalt  }
0x6a: {  	_ =	shalt  }
0x6b: {  	_ =	shalt  }
0x6c: {  	_ =	shalt  }
0x6d: {  	_ =	shalt  }
0x6e: {  	_ =	shalt  }
0x6f: {  	_ =	shalt  }
0x70: {  	_ =	shalt  }
0x71: {  	_ =	shalt  }
0x72: {  	_ =	shalt  }
0x73: {  	_ =	shalt  }
0x74: {  	_ =	shalt  }
0x75: {  	_ =	shalt  }
0x76: {  	_ =	shalt  }
0x77: {  	_ =	shalt  }
0x78: {  	_ =	shalt  }
0x79: {  	_ =	shalt  }
0x7a: {  	_ =	shalt  }
0x7b: {  	_ =	shalt  }
0x7c: {  	_ =	shalt  }
0x7d: {  	_ =	shalt  }
0x7e: {  	_ =	shalt  }
0x7f: {  	_ =	shalt  }
0x80: {  	_ =	shalt  }
0x81: {  	_ =	shalt  }
0x82: {  	_ =	shalt  }
0x83: {  	_ =	shalt  }
0x84: {  	_ =	shalt  }
0x85: {  	_ =	shalt  }
0x86: {  	_ =	shalt  }
0x87: {  	_ =	shalt  }
.Lfunc_end0:
.L_simem_size_0:
called_computation_lowered:
.L_overlay_start_0:
0x88: {  	s2 =	sld [smem:$0x3FD9]  }
0x89: {  	s3 =	sld [smem:$0x3FFE];
	_ =	sdelay $0x1  }
0x8a: {  	s1 =	srdreg.scid  }
0x8b: {  	s0 =	sand.u32 $0x1, s1  }
0x8c: {  	s17 =	sshll.u32 s0, $0xA;
	s2 =	sadd.s32 s3, s2  }
0x8d: {  	s2 =	sadd.s32 s2, s17  }
0x8e: {  	[smem:$0x3FC4] =	sst s2  }
0x8f: {  	_ = 	snop  }
0x90: {  	s2 =	sld [smem:$0x3FD0];
	(tm) =	ssettm $0x1  }
0x91: {  	s18 =	sld [smem:$0x3FFB];
	_ =	sdelay $0x3  }
0x92: {  	_ =	strace s18  }
0x93: {  	s3 =	sld [smem:$0x3FFC];
	_ =	sdelay $0x3  }
0x94: {  	_ =	strace s3  }
0x95: {  	s3 =	sld [smem:$0x3FFD];
	_ =	sdelay $0x3  }
0x96: {  	_ =	strace s3  }
0x97: {  	_ =	strace $0x8FFFFFFF  }
0x98: {  	s19 =	sld [smem:$0x3FDB];
	_ =	sdelay $0x1  }
0x99: {  	s4 =	simm.s32 $_scs_section_size  }
0x9a: {  	s5 =	simm.s32 $_size__tile_overlayer_lowered;
	s6 =	simm.s32 $_tile_overlayer_lowered  }
0x9b: {  	s22 =	simm.s32 $0x1BFF;
	s21 =	sshll.u32 s6, $0x1;
	s3 =	sadd.s32 s4, s19  }
0x9c: {  	s7 =	simm.s32 $0x0;
	s20 =	sshll.u32 s5, $0x1;
	s5 =	sadd.s32 s21, s3  }
0x9d: {  	[timem:s7], [sflag:s22] =	dma.local [hbm:s5], s20  }
0x9e: {  	_ =	swait.ge [sflag:s22], s20  }
0x9f: {  	s4 =	ssub.s32 $0x0, s20;
	[sflag:s22] =	ssyncset.done $0x0  }
0xa0: {  	[sflag:s22] =	ssyncadd.s32 s4;
	_ =	sdelay $0x1  }
0xa1: {  	s23 =	simm.s32 $0x1B8B  }
0xa2: {  	_ =	swait.ge [sflag:s23], $0x1  }
0xa3: {  	[sflag:s23] =	ssyncset.done $0x0  }
0xa4: {  	s25 =	simm.s32 $0x1B8E;
	s24 =	sld [smem:$0x3FFE];
	[sflag:s23] =	ssyncadd.s32 $0xFFFFFFFF  }
0xa5: {  	s26 =	simm.s32 $execute0_lowered;
	[smem:$0x3FD2] =	sst s25  }
0xa6: {  	s5 =	sshll.u32 s26, $0x1;
	_ =	strace $0x80000046;
	[dreg:$0x1] =	wrdreg $0xFFFFFFFF  }
0xa7: {  	s28 =	simm.s32 $_size_execute0_lowered;
	s3 =	sadd.s32 s3, s5;
	[dreg:$0x0] =	wrdreg $0x0  }
0xa8: {  	s5 =	sshll.u32 s28, $0x1;
	[dreg:$0x2] =	wrdreg s3  }
0xa9: {  	[dreg:$0x3] =	wrdreg s5  }
0xaa: {  	[dreg:$0x4] =	wrdreg $0xC0  }
0xab: {  	_ =	task [dreg:s7], $0x5FFFF  }
0xac: {  	[dreg:$0x1] =	wrdreg $0xFFFFFFFF  }
0xad: {  	[dreg:$0x0] =	wrdreg $0x60  }
0xae: {  	[dreg:$0x2] =	wrdreg s24  }
0xaf: {  	[dreg:$0x3] =	wrdreg s2  }
0xb0: {  	[dreg:$0x4] =	wrdreg $0x9  }
0xb1: {  	_ =	task.clear_ibuf [dreg:s7], $0x5FFFF;
	_ =	strace $0x90000046  }
0xb2: {  	s29 =	simm.s32 $0x9;
	_ =	strace $0x80000048  }
0xb3: {  	_ =	swait.ge [sflag:s29], $0x1  }
0xb4: {  	[sflag:s29] =	ssyncadd.s32 $0xFFFFFFFF  }
0xb5: {  	_ =	strace $0x90000048  }
0xb6: {  	_ =	sfence  }
0xb7: {  	s30 =	sld [smem:$0x0];
	_ =	sdelay $0x2  }
0xb8: {  	s31 =	sshll.u32 s1, $0xD;
	s1 =	sshrl.u32 s1, $0x2  }
0xb9: {  	s3 =	sand.u32 $0x4000, s31;
	s1 =	sadd.s32 s1, s30  }
0xba: {  	s0 =	sor.u32 s3, s0;
	s1 =	sshll.u32 s1, $0x11  }
0xbb: {  	s0 =	sor.u32 s1, s0  }
0xbc: {  	s0 =	sadd.s32 $0x8F2B, s0  }
0xbd: {  	[sflag:s0] =	ssyncadd.remote.s32 $0x1  }
0xbe: {  	_ =	sfence.sel $0xFFFF  }
0xbf: {  	[dreg:$0x0] =	wrdreg $0xFFFFFFFF;
	(pc) =	sbr.abs _section_cstart, $3  }
0xc0: {  	[dreg:$0x1] =	wrdreg $0xFFFFFFFF  }
0xc1: {  	_ =	task.clear_ibuf [dreg:s7], $0x2FFFF;
	_ =	strace $0x9FFFFFFF  }
0xc2: {  	(tm) =	ssettm $0x7FFFFFFF  }
0xc3: {  	_ =	shalt  }
tec
execute0_lowered:
.L_overlay_start_1:
0x0: {  	(tag) =	ssettag $0x1  }
0x1: {  	s4 =	rddreg [dreg:$0x0];
	s1 =	srdreg.scid  }
0x2: {  	s0 =	stileid.u32;
	s2 =	rddreg [dreg:$0x1];
	s3 =	simm.s32 $0x0  }
0x3: {  	s30 =	simm.s32 $0x7400;
	s31 =	simm.s32 $0x8400;
	s11 =	simm.s32 $0x9400  }
0x4: {  	s13 =	simm.s32 $0xA400;
	s12 =	simm.s32 $0x6400;
	s14 =	simm.s32 $0xC400  }
0x5: {  	s15 =	simm.s32 $0xD400;
	s16 =	simm.s32 $0x1;
	s17 =	simm.s32 $0x20  }
0x6: {  	s18 =	simm.s32 $0x0;
	s5 =	sand.u32 $0x1, s1;
	s1 =	rddreg [dreg:$0x2]  }
0x7: {  	s6 =	sshll.u32 s0, $0x1;
	[smem:$0x7FF] =	sst s3;
	s8 =	smul.u32 $0xC800, s0  }
0x8: {  	s6 =	sor.u32 s5, s6;
	_ =	strace $0x80000047;
	[dreg:$0x3] =	wrdreg s30  }
0x9: {  	s7 =	ssub.s32 $0x2, s5;
	s10 =	smul.u32 $0x6400, s5;
	[dreg:$0x4] =	wrdreg s31  }
0xa: {  	[dreg:$0x5] =	wrdreg s11;
	s11 =	simm.s32 $0x80;
	s6 =	smul.u32 $0xC80, s6  }
0xb: {  	[dreg:$0x6] =	wrdreg s13;
	s13 =	simm.s32 $0xB400;
	s9 =	sshrl.u32 s7, $0x1  }
0xc: {  	s7 =	ssub.s32 s7, s9;
	s6 =	sadd.s32 s6, s4;
	s4 =	sadd.s32 $0x19A00, s4  }
0xd: {  	s5 =	sadd.s32 $0xA00, s6;
	s6 =	smax.u32 s7, $0x1;
	s7 =	sadd.s32 s10, s8  }
0xe: {  	s10 =	simm.s32 $0x2;
	s8 =	sshrl.u32 s7, $0x2;
	s9 =	sshrl.u32 s7, $0x7  }
.LBB2_1:
0xf: {  	[tilespmem:s3], [sflag:$0x2] =	stream.linear.gather [hbm4b:s5+s3], $0x6400, $0x38;
	[tilespmem:$0xE400] =	vst v63  }
0x10: {  	_ =	swait.ge [sflag:s10], $0x6400  }
0x11: {  	[sflag:s10] =	ssyncset.done $0x0  }
0x12: {  	s19 =	simm.s32 $0x0;
	[sflag:s10] =	ssyncadd.s32 $0xFFFF9C00  }
0x13: {  	[tilespmem:s12], [sflag:$0x1] =	stream.indirect.gather [hbm4b:s2+s11], $0x20, s19, s11, $0xb8;
	[tilespmem:$0xE400] =	vst v63  }
0x14: {  	s21 =	simm.s32 $0x80;
	s20 =	rddreg [dreg:$0x3]  }
0x15: {  	[tilespmem:s20], [sflag:$0x1] =	stream.indirect.gather [hbm4b:s2+s11], $0x20, s21, s11, $0xb8;
	[tilespmem:$0xE400] =	vst v63  }
0x16: {  	s30 =	simm.s32 $0x100;
	s29 =	rddreg [dreg:$0x4]  }
0x17: {  	[tilespmem:s29], [sflag:$0x1] =	stream.indirect.gather [hbm4b:s2+s11], $0x20, s30, s11, $0xb8;
	[tilespmem:$0xE400] =	vst v63  }
0x18: {  	s22 =	simm.s32 $0x180;
	s31 =	rddreg [dreg:$0x5]  }
0x19: {  	[tilespmem:s31], [sflag:$0x1] =	stream.indirect.gather [hbm4b:s2+s11], $0x20, s22, s11, $0xb8;
	[tilespmem:$0xE400] =	vst v63  }
0x1a: {  	s24 =	simm.s32 $0x200;
	s23 =	rddreg [dreg:$0x6]  }
0x1b: {  	[tilespmem:s23], [sflag:$0x1] =	stream.indirect.gather [hbm4b:s2+s11], $0x20, s24, s11, $0xb8;
	[tilespmem:$0xE400] =	vst v63  }
0x1c: {  	s25 =	simm.s32 $0x280  }
0x1d: {  	[tilespmem:s13], [sflag:$0x1] =	stream.indirect.gather [hbm4b:s2+s11], $0x20, s25, s11, $0xb8;
	[tilespmem:$0xE400] =	vst v63  }
0x1e: {  	s26 =	simm.s32 $0x300  }
0x1f: {  	[tilespmem:s14], [sflag:$0x1] =	stream.indirect.gather [hbm4b:s2+s11], $0x20, s26, s11, $0xb8;
	[tilespmem:$0xE400] =	vst v63  }
0x20: {  	s28 =	simm.s32 $0x380  }
0x21: {  	[tilespmem:s15], [sflag:$0x1] =	stream.indirect.gather [hbm4b:s2+s11], $0x20, s28, s11, $0xb8;
	[tilespmem:$0xE400] =	vst v63  }
0x22: {  	_ =	swait.ge [sflag:s16], $0x1000  }
0x23: {  	[sflag:s16] =	ssyncset.done $0x0  }
0x24: {  	[sflag:s16] =	ssyncadd.s32 $0xFFFFF000  }
0x25: {  	_ =	swait.ge [sflag:s16], $0x1000  }
0x26: {  	[sflag:s16] =	ssyncset.done $0x0  }
0x27: {  	[sflag:s16] =	ssyncadd.s32 $0xFFFFF000  }
0x28: {  	_ =	swait.ge [sflag:s16], $0x1000  }
0x29: {  	[sflag:s16] =	ssyncset.done $0x0  }
0x2a: {  	[sflag:s16] =	ssyncadd.s32 $0xFFFFF000  }
0x2b: {  	_ =	swait.ge [sflag:s16], $0x1000  }
0x2c: {  	[sflag:s16] =	ssyncset.done $0x0  }
0x2d: {  	[sflag:s16] =	ssyncadd.s32 $0xFFFFF000  }
0x2e: {  	_ =	swait.ge [sflag:s16], $0x1000  }
0x2f: {  	[sflag:s16] =	ssyncset.done $0x0  }
0x30: {  	[sflag:s16] =	ssyncadd.s32 $0xFFFFF000  }
0x31: {  	_ =	swait.ge [sflag:s16], $0x1000  }
0x32: {  	[sflag:s16] =	ssyncset.done $0x0  }
0x33: {  	[sflag:s16] =	ssyncadd.s32 $0xFFFFF000  }
0x34: {  	s29 =	sand.u32 $0x1FFF000, s8;
	s30 =	sand.u32 $0xC00, s7;
	_ =	swait.ge [sflag:s16], $0x1000  }
0x35: {  	s19 =	sor.u32 s30, s29;
	[sflag:s16] =	ssyncset.done $0x0  }
0x36: {  	s19 =	sshll.u32 s19, $0x7;
	s31 =	sand.u32 $0x60, s9;
	[sflag:s16] =	ssyncadd.s32 $0xFFFFF000  }
0x37: {  	s19 =	sor.u32 s31, s19;
	_ =	swait.ge [sflag:s16], $0x1000  }
0x38: {  	s20 =	sadd.s32 $0x400, s7;
	s19 =	sshrl.u32 s19, $0x3;
	[sflag:s16] =	ssyncset.done $0x0  }
0x39: {  	s21 =	sadd.s32 $0x100, s8;
	s19 =	sadd.s32 s4, s19;
	[sflag:s16] =	ssyncadd.s32 $0xFFFFF000  }
0x3a: {  	[hbm4b:s19+s17] =	stream.strided.scatter [tilespmem:s12], [sflag:$0x2], $0x8000, s11, s17, $0x38;
	[tilespmem:$0xE400] =	vst v63  }
0x3b: {  	s22 =	simm.s32 $0x1000;
	s23 =	simm.s32 $0x2000;
	_ =	swait.ge [sflag:s10], $0x8000  }
0x3c: {  	s19 =	sadd.s32 $0x8, s9;
	s24 =	rddreg [dreg:$0x4];
	[sflag:s10] =	ssyncset.done $0x0  }
.LBB2_2:
0x3d: {  	s25 =	sshra.s32 s22, $0x2;
	[sflag:s10] =	ssyncadd.s32 $0xFFFF8000  }
0x3e: {  	[tilespmem:s12], [sflag:$0x1] =	stream.indirect.gather [hbm4b:s2+s11], $0x20, s25, s11, $0xb8;
	[tilespmem:$0xE400] =	vst v63  }
0x3f: {  	s26 =	rddreg [dreg:$0x3];
	s28 =	sadd.s32 $0x80, s25  }
0x40: {  	[tilespmem:s26], [sflag:$0x1] =	stream.indirect.gather [hbm4b:s2+s11], $0x20, s28, s11, $0xb8;
	[tilespmem:$0xE400] =	vst v63  }
0x41: {  	s30 =	sadd.s32 $0x100, s25  }
0x42: {  	[tilespmem:s24], [sflag:$0x1] =	stream.indirect.gather [hbm4b:s2+s11], $0x20, s30, s11, $0xb8;
	[tilespmem:$0xE400] =	vst v63  }
0x43: {  	s31 =	rddreg [dreg:$0x5];
	s26 =	sadd.s32 $0x180, s25  }
0x44: {  	[tilespmem:s31], [sflag:$0x1] =	stream.indirect.gather [hbm4b:s2+s11], $0x20, s26, s11, $0xb8;
	[tilespmem:$0xE400] =	vst v63  }
0x45: {  	s29 =	rddreg [dreg:$0x6];
	s30 =	sadd.s32 $0x200, s25  }
0x46: {  	[tilespmem:s29], [sflag:$0x1] =	stream.indirect.gather [hbm4b:s2+s11], $0x20, s30, s11, $0xb8;
	[tilespmem:$0xE400] =	vst v63  }
0x47: {  	s31 =	sadd.s32 $0x280, s25  }
0x48: {  	[tilespmem:s13], [sflag:$0x1] =	stream.indirect.gather [hbm4b:s2+s11], $0x20, s31, s11, $0xb8;
	[tilespmem:$0xE400] =	vst v63  }
0x49: {  	s26 =	sadd.s32 $0x300, s25  }
0x4a: {  	[tilespmem:s14], [sflag:$0x1] =	stream.indirect.gather [hbm4b:s2+s11], $0x20, s26, s11, $0xb8;
	[tilespmem:$0xE400] =	vst v63  }
0x4b: {  	s28 =	sadd.s32 $0x380, s25  }
0x4c: {  	[tilespmem:s15], [sflag:$0x1] =	stream.indirect.gather [hbm4b:s2+s11], $0x20, s28, s11, $0xb8;
	[tilespmem:$0xE400] =	vst v63  }
0x4d: {  	_ =	swait.ge [sflag:s16], $0x1000  }
0x4e: {  	[sflag:s16] =	ssyncset.done $0x0  }
0x4f: {  	[sflag:s16] =	ssyncadd.s32 $0xFFFFF000  }
0x50: {  	_ =	swait.ge [sflag:s16], $0x1000  }
0x51: {  	[sflag:s16] =	ssyncset.done $0x0  }
0x52: {  	[sflag:s16] =	ssyncadd.s32 $0xFFFFF000  }
0x53: {  	_ =	swait.ge [sflag:s16], $0x1000  }
0x54: {  	[sflag:s16] =	ssyncset.done $0x0  }
0x55: {  	[sflag:s16] =	ssyncadd.s32 $0xFFFFF000  }
0x56: {  	_ =	swait.ge [sflag:s16], $0x1000  }
0x57: {  	[sflag:s16] =	ssyncset.done $0x0  }
0x58: {  	[sflag:s16] =	ssyncadd.s32 $0xFFFFF000  }
0x59: {  	_ =	swait.ge [sflag:s16], $0x1000  }
0x5a: {  	[sflag:s16] =	ssyncset.done $0x0  }
0x5b: {  	[sflag:s16] =	ssyncadd.s32 $0xFFFFF000  }
0x5c: {  	_ =	swait.ge [sflag:s16], $0x1000  }
0x5d: {  	[sflag:s16] =	ssyncset.done $0x0  }
0x5e: {  	[sflag:s16] =	ssyncadd.s32 $0xFFFFF000  }
0x5f: {  	s29 =	sand.u32 $0x1FFF000, s21;
	s30 =	sand.u32 $0xC00, s20;
	_ =	swait.ge [sflag:s16], $0x1000  }
0x60: {  	s22 =	smov.u32 s23;
	s24 =	sor.u32 s30, s29;
	[sflag:s16] =	ssyncset.done $0x0  }
0x61: {  	s24 =	sshll.u32 s24, $0x7;
	s31 =	sand.u32 $0x60, s19;
	[sflag:s16] =	ssyncadd.s32 $0xFFFFF000  }
0x62: {  	p0 =	sne.s32 s23, $0x18000;
	s24 =	sor.u32 s31, s24;
	_ =	swait.ge [sflag:s16], $0x1000  }
.Ltmp0:
0x63: {  	s24 =	sshrl.u32 s24, $0x3;
	[sflag:s16] =	ssyncset.done $0x0;
	(pc) =	sbr.rel @p0 .LBB2_2-.Ltmp0, $4  }
0x64: {  	s23 =	sadd.s32 $0x1000, s23;
	s24 =	sadd.s32 s4, s24;
	[sflag:s16] =	ssyncadd.s32 $0xFFFFF000  }
0x65: {  	[hbm4b:s24+s17] =	stream.strided.scatter [tilespmem:s12], [sflag:$0x2], $0x8000, s11, s17, $0x38;
	[tilespmem:$0xE400] =	vst v63  }
0x66: {  	s20 =	sadd.s32 $0x400, s20;
	s21 =	sadd.s32 $0x100, s21;
	_ =	swait.ge [sflag:s10], $0x8000  }
0x67: {  	s19 =	sadd.s32 $0x8, s19;
	s24 =	rddreg [dreg:$0x4];
	[sflag:s10] =	ssyncset.done $0x0  }
0x68: {  	s22 =	sshra.s32 s22, $0x2;
	[sflag:s10] =	ssyncadd.s32 $0xFFFF8000  }
0x69: {  	[tilespmem:s12], [sflag:$0x1] =	stream.indirect.gather [hbm4b:s2+s11], $0x20, s22, s11, $0xb8;
	[tilespmem:$0xE400] =	vst v63  }
0x6a: {  	s23 =	rddreg [dreg:$0x3];
	s25 =	sadd.s32 $0x80, s22  }
0x6b: {  	[tilespmem:s23], [sflag:$0x1] =	stream.indirect.gather [hbm4b:s2+s11], $0x20, s25, s11, $0xb8;
	[tilespmem:$0xE400] =	vst v63  }
0x6c: {  	s30 =	sadd.s32 $0x100, s22  }
0x6d: {  	[tilespmem:s24], [sflag:$0x1] =	stream.indirect.gather [hbm4b:s2+s11], $0x20, s30, s11, $0xb8;
	[tilespmem:$0xE400] =	vst v63  }
0x6e: {  	s31 =	rddreg [dreg:$0x5];
	s26 =	sadd.s32 $0x180, s22  }
0x6f: {  	[tilespmem:s31], [sflag:$0x1] =	stream.indirect.gather [hbm4b:s2+s11], $0x20, s26, s11, $0xb8;
	[tilespmem:$0xE400] =	vst v63  }
0x70: {  	s28 =	rddreg [dreg:$0x6];
	s29 =	sadd.s32 $0x200, s22  }
0x71: {  	[tilespmem:s28], [sflag:$0x1] =	stream.indirect.gather [hbm4b:s2+s11], $0x20, s29, s11, $0xb8;
	[tilespmem:$0xE400] =	vst v63  }
0x72: {  	s30 =	sadd.s32 $0x280, s22  }
0x73: {  	[tilespmem:s13], [sflag:$0x1] =	stream.indirect.gather [hbm4b:s2+s11], $0x20, s30, s11, $0xb8;
	[tilespmem:$0xE400] =	vst v63  }
0x74: {  	s31 =	sadd.s32 $0x300, s22  }
0x75: {  	[tilespmem:s14], [sflag:$0x1] =	stream.indirect.gather [hbm4b:s2+s11], $0x20, s31, s11, $0xb8;
	[tilespmem:$0xE400] =	vst v63  }
0x76: {  	s22 =	sadd.s32 $0x380, s22  }
0x77: {  	[tilespmem:s15], [sflag:$0x1] =	stream.indirect.gather [hbm4b:s2+s11], $0x20, s22, s11, $0xb8;
	[tilespmem:$0xE400] =	vst v63  }
0x78: {  	_ =	swait.ge [sflag:s16], $0x1000  }
0x79: {  	[sflag:s16] =	ssyncset.done $0x0  }
0x7a: {  	[sflag:s16] =	ssyncadd.s32 $0xFFFFF000  }
0x7b: {  	_ =	swait.ge [sflag:s16], $0x1000  }
0x7c: {  	[sflag:s16] =	ssyncset.done $0x0  }
0x7d: {  	[sflag:s16] =	ssyncadd.s32 $0xFFFFF000  }
0x7e: {  	_ =	swait.ge [sflag:s16], $0x1000  }
0x7f: {  	[sflag:s16] =	ssyncset.done $0x0  }
0x80: {  	[sflag:s16] =	ssyncadd.s32 $0xFFFFF000  }
0x81: {  	_ =	swait.ge [sflag:s16], $0x1000  }
0x82: {  	[sflag:s16] =	ssyncset.done $0x0  }
0x83: {  	[sflag:s16] =	ssyncadd.s32 $0xFFFFF000  }
0x84: {  	_ =	swait.ge [sflag:s16], $0x1000  }
0x85: {  	[sflag:s16] =	ssyncset.done $0x0  }
0x86: {  	[sflag:s16] =	ssyncadd.s32 $0xFFFFF000  }
0x87: {  	_ =	swait.ge [sflag:s16], $0x1000  }
0x88: {  	[sflag:s16] =	ssyncset.done $0x0  }
0x89: {  	[sflag:s16] =	ssyncadd.s32 $0xFFFFF000  }
0x8a: {  	s21 =	sand.u32 $0x1FFF000, s21;
	s20 =	sand.u32 $0xC00, s20;
	_ =	swait.ge [sflag:s16], $0x1000  }
0x8b: {  	s20 =	sor.u32 s20, s21;
	[sflag:s16] =	ssyncset.done $0x0  }
0x8c: {  	s19 =	sand.u32 $0x60, s19;
	s20 =	sshll.u32 s20, $0x7;
	[sflag:s16] =	ssyncadd.s32 $0xFFFFF000  }
0x8d: {  	s18 =	sadd.s32 $0x1, s18;
	s19 =	sor.u32 s19, s20;
	_ =	swait.ge [sflag:s16], $0x1000  }
0x8e: {  	p0 =	sne.s32 s18, s6;
	s19 =	sshrl.u32 s19, $0x3;
	[sflag:s16] =	ssyncset.done $0x0  }
.Ltmp1:
0x8f: {  	s19 =	sadd.s32 s4, s19;
	[sflag:s16] =	ssyncadd.s32 $0xFFFFF000;
	(pc) =	sbr.rel @p0 .LBB2_1-.Ltmp1, $4  }
0x90: {  	[hbm4b:s19+s17] =	stream.strided.scatter [tilespmem:s12], [sflag:$0x2], $0x8000, s11, s17, $0x38;
	[tilespmem:$0xE400] =	vst v63  }
0x91: {  	_ =	swait.ge [sflag:s10], $0x8000  }
0x92: {  	[sflag:s10] =	ssyncset.done $0x0  }
0x93: {  	[sflag:s10] =	ssyncadd.s32 $0xFFFF8000  }
0x94: {  	_ =	sfence.sel $0x180000  }
0x95: {  	[bflag:$0x0] =	sbarrier.arrive $0xFFFF  }
0x96: {  	p0 =	sne.s32 s0, $0x0;
	_ =	strace $0x90000047  }
0x97: {  	s0 =	sadd.s32 @!p0 $0x100000, s1;
	[bflag:$0x2] =	sbarrier.arrive $0xFFFF  }
0x98: {  	[sflag:s0] =	ssyncadd.tile.s32 @!p0 $0x1;
	_ =	shalt  }
.Lfunc_end2:
_tile_overlayer_lowered:
.L_overlay_start_2:
0x99: {  	(tag) =	ssettag $0x2  }
0x9a: {  	s0 =	rddreg [dreg:$0x0];
	s2 =	stileid.u32  }
0x9b: {  	s1 =	rddreg [dreg:$0x1];
	p0 =	sne.s32 s2, $0x0  }
0x9c: {  	s3 =	rddreg [dreg:$0x2];
	[bflag:$0x3] =	sbarrier.arrive $0xFFFF;
	s2 =	simm.s32 @!p0 $0x1C02  }
0x9d: {  	[timem:s3], [sflag:s2] =	dma.local @!p0 [hbm:s0], s1  }
0x9e: {  	s0 =	simm.s32 @!p0 $0x2  }
0x9f: {  	_ =	swait.ge @!p0 [sflag:s0], s1  }
0xa0: {  	s1 =	ssub.s32 @!p0 $0x0, s1;
	[sflag:s0] =	ssyncset.done @!p0 $0x0  }
0xa1: {  	[sflag:s0] =	ssyncadd.s32 @!p0 s1  }
0xa2: {  	[bflag:$0x3] =	sbarrier.arrive $0xFFFF  }
0xa3: {  	_ =	shalt  }

</sc_bundles>
